<compile_context>
chip_gen: v7x
topology: tpu7x:2x2x1
jax: 0.10.2.dev20260603
libtpu: 0.0.44.dev20260713+nightly
codegen_flags: <defaults>
</compile_context>

<pallas_src>
import functools

import jax
import jax.numpy as jnp
from jax import lax
from jax.experimental import pallas as pl
from jax.experimental.pallas import tpu as pltpu
from jax.experimental.pallas import tpu_sc as plsc

NEG_RATIO = 3.0
EPS = 1e-4
WEIGHT = 1.0

N_TOTAL = 16 * 512 * 512
N_SPLIT = 2
HALF = N_TOTAL // N_SPLIT
TC_GRID = 8
TC_ROWS = HALF // 128 // TC_GRID

NUM_WORKERS = 32
PER_TILE = HALF // NUM_WORKERS
CHUNK = 16384
N_CHUNKS = PER_TILE // CHUNK
NB = 8576
SHIFT = 17


def _bce_body(gt_ref, pred_ref, neg_ref, stats_ref):
    g = gt_ref[...].reshape(TC_ROWS, 128)
    p = pred_ref[...].reshape(TC_ROWS, 128)
    logp = jnp.maximum(jnp.log(p), -100.0)
    log1mp = jnp.maximum(jnp.log(1.0 - p), -100.0)
    loss = -(g * logp + (1.0 - g) * log1mp)
    pos_m = g >= 0.9
    ign_m = jnp.logical_and(g >= 0.8, g < 0.9)
    neg_ref[...] = jnp.where(g < 0.8, loss, 0.0).reshape(-1)
    pos_v = jnp.sum(pos_m.astype(jnp.float32), axis=0)
    ign_v = jnp.sum(ign_m.astype(jnp.float32), axis=0)
    psum_v = jnp.sum(jnp.where(pos_m, loss, 0.0), axis=0)
    stats_ref[...] = jnp.stack([pos_v, ign_v, psum_v], axis=0)[None]


TC_BLK = TC_ROWS * 128


def _tc_bce(gt1d, pred1d):
    return pl.pallas_call(
        _bce_body,
        grid=(TC_GRID,),
        in_specs=[
            pl.BlockSpec((TC_BLK,), lambda i: (i,)),
            pl.BlockSpec((TC_BLK,), lambda i: (i,)),
        ],
        out_specs=[
            pl.BlockSpec((TC_BLK,), lambda i: (i,)),
            pl.BlockSpec((1, 3, 128), lambda i: (i, 0, 0)),
        ],
        out_shape=[
            jax.ShapeDtypeStruct((HALF,), jnp.float32),
            jax.ShapeDtypeStruct((TC_GRID, 3, 128), jnp.float32),
        ],
    )(gt1d, pred1d)


def _sc_hist_kernel(neg_hbm, sum_hbm, buf, sum_ref):
    c = lax.axis_index("c")
    s = lax.axis_index("s")
    wid = s * 2 + c
    base = wid * PER_TILE

    zeros16 = jnp.zeros((16,), jnp.float32)

    def zero_body(i, carry):
        sum_ref[pl.ds(i * 16, 16)] = zeros16
        return carry

    lax.fori_loop(0, NB // 16, zero_body, 0, unroll=8)

    def chunk_body(ci, carry):
        pltpu.sync_copy(neg_hbm.at[pl.ds(base + ci * CHUNK, CHUNK)], buf)

        def inner(j, c2):
            x = buf[pl.ds(j * 16, 16)]
            bits = lax.bitcast_convert_type(x, jnp.int32)
            m = bits != 0
            b = lax.shift_right_logical(bits, SHIFT)
            plsc.addupdate_scatter(sum_ref, [b], x, mask=m)
            return c2

        lax.fori_loop(0, CHUNK // 16, inner, 0, unroll=8)
        return carry

    lax.fori_loop(0, N_CHUNKS, chunk_body, 0)

    pltpu.sync_copy(sum_ref, sum_hbm.at[wid])


def _sc_hist(neg_flat):
    mesh = plsc.VectorSubcoreMesh(core_axis_name="c", subcore_axis_name="s")
    fn = functools.partial(
        pl.kernel,
        mesh=mesh,
        out_type=jax.ShapeDtypeStruct((NUM_WORKERS, NB), jnp.float32),
        scratch_types=[
            pltpu.VMEM((CHUNK,), jnp.float32),
            pltpu.VMEM((NB,), jnp.float32),
        ],
        compiler_params=pltpu.CompilerParams(needs_layout_passes=False),
    )(_sc_hist_kernel)
    return fn(neg_flat)


def kernel(gt_centerness, pred_binary):
    gt1d = gt_centerness.reshape(-1)
    pred1d = pred_binary.reshape(-1)

    neg0, stats0 = _tc_bce(gt1d[:HALF], pred1d[:HALF])
    sum0 = _sc_hist(neg0)
    neg1, stats1 = _tc_bce(gt1d[HALF:], pred1d[HALF:])
    sum1 = _sc_hist(neg1)

    sm = jnp.sum(sum0, axis=0) + jnp.sum(sum1, axis=0)
    centers = lax.bitcast_convert_type(
        (jnp.arange(NB, dtype=jnp.int32) * 2 + 1) << (SHIFT - 1),
        jnp.float32)
    cnt = jnp.where(centers >= 1e-30, jnp.round(sm / centers), 0.0)

    stats = jnp.concatenate([stats0, stats1], axis=0)
    pos = jnp.sum(stats[:, 0, :])
    ign = jnp.sum(stats[:, 1, :])
    pos_loss_sum = jnp.sum(stats[:, 2, :])

    neg = N_TOTAL - pos - ign
    k = jnp.floor(jnp.minimum(jnp.maximum(pos, 1.0) * NEG_RATIO, neg))

    cnt_d = cnt[::-1]
    sum_d = sm[::-1]
    ccnt = jnp.cumsum(cnt_d)
    csum = jnp.cumsum(sum_d)
    above_cnt = ccnt - cnt_d
    above_sum = csum - sum_d
    idx = jnp.argmax(ccnt >= k)
    take = k - above_cnt[idx]
    avg = sum_d[idx] / jnp.maximum(cnt_d[idx], 1.0)
    topk_sum = jnp.where(ccnt[-1] >= k,
                         above_sum[idx] + take * avg,
                         csum[-1])

    return WEIGHT * (NEG_RATIO * pos_loss_sum + topk_sum) / (pos + k + EPS)

# --- scband reference (transcript-rebuilt; emitter-appended) ---
"""Pipeline reference for scband-topk-bce-35880156791412 (READ-ONLY COPY).

The authoritative reference and input builder live on the scoring server;
editing this copy changes nothing except your own understanding.
"""

import jax, jax.numpy as jnp
import numpy as np

NEG_RATIO = 3.0
EPS = 1e-4
WEIGHT = 1.0


def _bce(pred, gt):
    # torch.nn.BCELoss(reduction='none') with log clamped at -100
    logp = jnp.clip(jnp.log(pred), -100.0, None)
    log1mp = jnp.clip(jnp.log(1.0 - pred), -100.0, None)
    return -(gt * logp + (1.0 - gt) * log1mp)


def setup_inputs(seed: int = 0) -> dict:
    key = jax.random.key(seed)
    k1, k2 = jax.random.split(key)
    gt_centerness = jax.random.uniform(k1, (16, 512, 512, 1), dtype=jnp.float32)
    pred_binary = jax.random.uniform(k2, (16, 1, 512, 512), dtype=jnp.float32)
    return {"gt_centerness": gt_centerness, "pred_binary": pred_binary}


def reference(gt_centerness, pred_binary):
    gt_labels = gt_centerness
    pred_labels = pred_binary
    if gt_labels.ndim == 4:
        gt_labels = jnp.squeeze(gt_labels, -1)
    if pred_labels.ndim == 4:
        pred_labels = jnp.squeeze(pred_labels, 1)
    pred_labels = pred_labels.reshape(pred_labels.shape[0], -1)
    gt_labels = gt_labels.reshape(gt_labels.shape[0], -1)

    pos_mask = gt_labels >= 0.9
    ign_mask = (gt_labels >= 0.8) & (gt_labels < 0.9)
    ignore = jnp.sum(ign_mask)
    mask = 1.0 - ign_mask.astype(pred_labels.dtype)

    loss = _bce(pred_labels, gt_labels)
    # positive_loss[pos_mask].sum() == masked sum
    positive_loss_sum = jnp.sum(loss * mask * pos_mask.astype(pred_labels.dtype))
    pos = jnp.sum(pos_mask)

    neg_mask = (1.0 - pos_mask.astype(pred_labels.dtype)) * mask
    neg_loss = loss * neg_mask
    neg = gt_labels.size - pos - ignore
    k = jnp.floor(jnp.minimum(jnp.maximum(pos, 1) * NEG_RATIO, neg))

    flat_neg_loss = neg_loss.reshape(-1)
    n_total = flat_neg_loss.shape[0]
    sorted_neg_losses, _ = jax.lax.top_k(flat_neg_loss, n_total)
    topk_mask = (jnp.arange(n_total) < k).astype(sorted_neg_losses.dtype)
    topk_sum = jnp.sum(sorted_neg_losses * topk_mask)
    return WEIGHT * (NEG_RATIO * positive_loss_sum + topk_sum) / (pos + k + EPS)

if __name__ == "__main__":
    import jax
    _d = setup_inputs()
    print(jax.jit(kernel)(*tuple(_d.values())))

</pallas_src>

<mosaic_0001>
#map = affine_map<(d0, d1) -> (0)>
#map1 = affine_map<(d0, d1) -> (0, 0)>
module attributes {stable_mosaic.version = 14 : i64} {
  func.func @_sc_hist_kernel(%arg0: i32, %arg1: i32, %arg2: memref<2097152xf32, #tpu.memory_space<hbm>>, %arg3: memref<32x8576xf32, #tpu.memory_space<hbm>>, %arg4: memref<16384xf32, #tpu.memory_space<vmem>>, %arg5: memref<8576xf32, #tpu.memory_space<vmem>>) attributes {dimension_semantics = [#tpu.dimension_semantics<core_parallel>, #tpu.dimension_semantics<subcore_parallel>], iteration_bounds = array<i64: 2, 16>, scalar_prefetch = 0 : i64, scratch_operands = 2 : i64, tpu.core_type = #tpu.core_type<sc_vector_subcore>, window_params = [{transform_indices = #map}, {transform_indices = #map1}]} {
    %mul3A = arith.constant 2 : i32
    %mul3A_0 = arith.muli %arg1, %mul3A : i32
    %add3A = arith.addi %mul3A_0, %arg0 : i32
    %mul3A_1 = arith.constant 65536 : i32
    %mul3A_2 = arith.muli %add3A, %mul3A_1 : i32
    %broadcast_in_dim3A = arith.constant 0.000000e+00 : f32
    %broadcast_in_dim3A_3 = vector.broadcast %broadcast_in_dim3A : f32 to vector<16xf32>
    %scan3A = arith.constant 0 : i32
    %scan3A_4 = arith.constant 0 : i32
    %scan3A_5 = arith.constant 536 : i32
    %scan3A_6 = arith.addi %scan3A_4, %scan3A_5 : i32
    %scan3A_7 = arith.constant 8 : i32
    scf.for %scan3A_15 = %scan3A_4 to %scan3A_6 step %scan3A_7  : i32 {
      %mul3A_16 = arith.constant 16 : i32
      %mul3A_17 = arith.muli %scan3A_15, %mul3A_16 : i32
      %swap3A = arith.index_cast %mul3A_17 : i32 to index
      %swap3A_18 = tpu.vector_load %arg5[%swap3A] {strides = array<i32>} : memref<8576xf32, #tpu.memory_space<vmem>>, vector<16xf32>,
      tpu.vector_store %arg5[%swap3A], %broadcast_in_dim3A_3 {strides = array<i32>} : memref<8576xf32, #tpu.memory_space<vmem>>, vector<16xf32>,
      %scan3A_19 = arith.constant 1 : i32
      %scan3A_20 = arith.addi %scan3A_15, %scan3A_19 : i32
      %mul3A_21 = arith.constant 16 : i32
      %mul3A_22 = arith.muli %scan3A_20, %mul3A_21 : i32
      %swap3A_23 = arith.index_cast %mul3A_22 : i32 to index
      %swap3A_24 = tpu.vector_load %arg5[%swap3A_23] {strides = array<i32>} : memref<8576xf32, #tpu.memory_space<vmem>>, vector<16xf32>,
      tpu.vector_store %arg5[%swap3A_23], %broadcast_in_dim3A_3 {strides = array<i32>} : memref<8576xf32, #tpu.memory_space<vmem>>, vector<16xf32>,
      %scan3A_25 = arith.constant 2 : i32
      %scan3A_26 = arith.addi %scan3A_15, %scan3A_25 : i32
      %mul3A_27 = arith.constant 16 : i32
      %mul3A_28 = arith.muli %scan3A_26, %mul3A_27 : i32
      %swap3A_29 = arith.index_cast %mul3A_28 : i32 to index
      %swap3A_30 = tpu.vector_load %arg5[%swap3A_29] {strides = array<i32>} : memref<8576xf32, #tpu.memory_space<vmem>>, vector<16xf32>,
      tpu.vector_store %arg5[%swap3A_29], %broadcast_in_dim3A_3 {strides = array<i32>} : memref<8576xf32, #tpu.memory_space<vmem>>, vector<16xf32>,
      %scan3A_31 = arith.constant 3 : i32
      %scan3A_32 = arith.addi %scan3A_15, %scan3A_31 : i32
      %mul3A_33 = arith.constant 16 : i32
      %mul3A_34 = arith.muli %scan3A_32, %mul3A_33 : i32
      %swap3A_35 = arith.index_cast %mul3A_34 : i32 to index
      %swap3A_36 = tpu.vector_load %arg5[%swap3A_35] {strides = array<i32>} : memref<8576xf32, #tpu.memory_space<vmem>>, vector<16xf32>,
      tpu.vector_store %arg5[%swap3A_35], %broadcast_in_dim3A_3 {strides = array<i32>} : memref<8576xf32, #tpu.memory_space<vmem>>, vector<16xf32>,
      %scan3A_37 = arith.constant 4 : i32
      %scan3A_38 = arith.addi %scan3A_15, %scan3A_37 : i32
      %mul3A_39 = arith.constant 16 : i32
      %mul3A_40 = arith.muli %scan3A_38, %mul3A_39 : i32
      %swap3A_41 = arith.index_cast %mul3A_40 : i32 to index
      %swap3A_42 = tpu.vector_load %arg5[%swap3A_41] {strides = array<i32>} : memref<8576xf32, #tpu.memory_space<vmem>>, vector<16xf32>,
      tpu.vector_store %arg5[%swap3A_41], %broadcast_in_dim3A_3 {strides = array<i32>} : memref<8576xf32, #tpu.memory_space<vmem>>, vector<16xf32>,
      %scan3A_43 = arith.constant 5 : i32
      %scan3A_44 = arith.addi %scan3A_15, %scan3A_43 : i32
      %mul3A_45 = arith.constant 16 : i32
      %mul3A_46 = arith.muli %scan3A_44, %mul3A_45 : i32
      %swap3A_47 = arith.index_cast %mul3A_46 : i32 to index
      %swap3A_48 = tpu.vector_load %arg5[%swap3A_47] {strides = array<i32>} : memref<8576xf32, #tpu.memory_space<vmem>>, vector<16xf32>,
      tpu.vector_store %arg5[%swap3A_47], %broadcast_in_dim3A_3 {strides = array<i32>} : memref<8576xf32, #tpu.memory_space<vmem>>, vector<16xf32>,
      %scan3A_49 = arith.constant 6 : i32
      %scan3A_50 = arith.addi %scan3A_15, %scan3A_49 : i32
      %mul3A_51 = arith.constant 16 : i32
      %mul3A_52 = arith.muli %scan3A_50, %mul3A_51 : i32
      %swap3A_53 = arith.index_cast %mul3A_52 : i32 to index
      %swap3A_54 = tpu.vector_load %arg5[%swap3A_53] {strides = array<i32>} : memref<8576xf32, #tpu.memory_space<vmem>>, vector<16xf32>,
      tpu.vector_store %arg5[%swap3A_53], %broadcast_in_dim3A_3 {strides = array<i32>} : memref<8576xf32, #tpu.memory_space<vmem>>, vector<16xf32>,
      %scan3A_55 = arith.constant 7 : i32
      %scan3A_56 = arith.addi %scan3A_15, %scan3A_55 : i32
      %mul3A_57 = arith.constant 16 : i32
      %mul3A_58 = arith.muli %scan3A_56, %mul3A_57 : i32
      %swap3A_59 = arith.index_cast %mul3A_58 : i32 to index
      %swap3A_60 = tpu.vector_load %arg5[%swap3A_59] {strides = array<i32>} : memref<8576xf32, #tpu.memory_space<vmem>>, vector<16xf32>,
      tpu.vector_store %arg5[%swap3A_59], %broadcast_in_dim3A_3 {strides = array<i32>} : memref<8576xf32, #tpu.memory_space<vmem>>, vector<16xf32>,
    }
    %scan3A_8 = arith.constant 536 : i32
    %scan3A_9 = arith.constant 0 : i32
    %scan3A_10 = arith.constant 0 : i32
    %scan3A_11 = arith.constant 4 : i32
    %scan3A_12 = arith.addi %scan3A_10, %scan3A_11 : i32
    %scan3A_13 = arith.constant 1 : i32
    scf.for %scan3A_15 = %scan3A_10 to %scan3A_12 step %scan3A_13  : i32 {
      %mul3A_16 = arith.constant 16384 : i32
      %mul3A_17 = arith.muli %scan3A_15, %mul3A_16 : i32
      %add3A_18 = arith.addi %mul3A_2, %mul3A_17 : i32
      "tpu.region"() ({
        %run_scoped3A = tpu.sem_alloc : memref<!tpu.dma_semaphore, #tpu.memory_space<semaphore_mem>>
        %dma_start3A = tpu.memref_slice %arg2[%add3A_18] : memref<2097152xf32, #tpu.memory_space<hbm>> -> memref<16384xf32, #tpu.memory_space<hbm>>
        %dma_start3A_25 = tpu.memref_slice %arg2[%add3A_18] : memref<2097152xf32, #tpu.memory_space<hbm>> -> memref<16384xf32, #tpu.memory_space<hbm>>
        tpu.enqueue_dma source(%dma_start3A_25 : memref<16384xf32, #tpu.memory_space<hbm>>) target(%arg4 : memref<16384xf32, #tpu.memory_space<vmem>>) target_semaphore(%run_scoped3A : memref<!tpu.dma_semaphore, #tpu.memory_space<semaphore_mem>>)
        %dma_wait3A = tpu.memref_slice %arg2[%add3A_18] : memref<2097152xf32, #tpu.memory_space<hbm>> -> memref<16384xf32, #tpu.memory_space<hbm>>
        %dma_wait3A_26 = tpu.memref_slice %arg2[%add3A_18] : memref<2097152xf32, #tpu.memory_space<hbm>> -> memref<16384xf32, #tpu.memory_space<hbm>>
        tpu.wait_dma2 semaphore(%run_scoped3A : memref<!tpu.dma_semaphore, #tpu.memory_space<semaphore_mem>>) src(%dma_wait3A_26 : memref<16384xf32, #tpu.memory_space<hbm>>) dst(%arg4 : memref<16384xf32, #tpu.memory_space<vmem>>)
        tpu.yield
      }) : () -> ()
      %scan3A_19 = arith.constant 0 : i32
      %scan3A_20 = arith.constant 0 : i32
      %scan3A_21 = arith.constant 1024 : i32
      %scan3A_22 = arith.addi %scan3A_20, %scan3A_21 : i32
      %scan3A_23 = arith.constant 8 : i32
      scf.for %scan3A_25 = %scan3A_20 to %scan3A_22 step %scan3A_23  : i32 {
        %mul3A_26 = arith.constant 16 : i32
        %mul3A_27 = arith.muli %scan3A_25, %mul3A_26 : i32
        %get3A = arith.index_cast %mul3A_27 : i32 to index
        %get3A_28 = tpu.vector_load %arg4[%get3A] {strides = array<i32>} : memref<16384xf32, #tpu.memory_space<vmem>>, vector<16xf32>,
        %bitcast_convert_type3A = tpu.bitcast %get3A_28 : vector<16xf32> -> vector<16xi32>
        %ne3A = arith.constant 0 : i32
        %ne3A_29 = vector.broadcast %ne3A : i32 to vector<16xi32>
        %ne3A_30 = arith.cmpi ne, %bitcast_convert_type3A, %ne3A_29 : vector<16xi32>
        %shift_right_logical3A = arith.constant 17 : i32
        %shift_right_logical3A_31 = vector.broadcast %shift_right_logical3A : i32 to vector<16xi32>
        %shift_right_logical3A_32 = arith.shrui %bitcast_convert_type3A, %shift_right_logical3A_31 : vector<16xi32>
        tpu.vector_store_idx %arg5[%shift_right_logical3A_32], %get3A_28 masked %ne3A_30 {add = true} : memref<8576xf32, #tpu.memory_space<vmem>>[vector<16xi32>], vector<16xf32>, vector<16xi1>
        %scan3A_33 = arith.constant 1 : i32
        %scan3A_34 = arith.addi %scan3A_25, %scan3A_33 : i32
        %mul3A_35 = arith.constant 16 : i32
        %mul3A_36 = arith.muli %scan3A_34, %mul3A_35 : i32
        %get3A_37 = arith.index_cast %mul3A_36 : i32 to index
        %get3A_38 = tpu.vector_load %arg4[%get3A_37] {strides = array<i32>} : memref<16384xf32, #tpu.memory_space<vmem>>, vector<16xf32>,
        %bitcast_convert_type3A_39 = tpu.bitcast %get3A_38 : vector<16xf32> -> vector<16xi32>
        %ne3A_40 = arith.constant 0 : i32
        %ne3A_41 = vector.broadcast %ne3A_40 : i32 to vector<16xi32>
        %ne3A_42 = arith.cmpi ne, %bitcast_convert_type3A_39, %ne3A_41 : vector<16xi32>
        %shift_right_logical3A_43 = arith.constant 17 : i32
        %shift_right_logical3A_44 = vector.broadcast %shift_right_logical3A_43 : i32 to vector<16xi32>
        %shift_right_logical3A_45 = arith.shrui %bitcast_convert_type3A_39, %shift_right_logical3A_44 : vector<16xi32>
        tpu.vector_store_idx %arg5[%shift_right_logical3A_45], %get3A_38 masked %ne3A_42 {add = true} : memref<8576xf32, #tpu.memory_space<vmem>>[vector<16xi32>], vector<16xf32>, vector<16xi1>
        %scan3A_46 = arith.constant 2 : i32
        %scan3A_47 = arith.addi %scan3A_25, %scan3A_46 : i32
        %mul3A_48 = arith.constant 16 : i32
        %mul3A_49 = arith.muli %scan3A_47, %mul3A_48 : i32
        %get3A_50 = arith.index_cast %mul3A_49 : i32 to index
        %get3A_51 = tpu.vector_load %arg4[%get3A_50] {strides = array<i32>} : memref<16384xf32, #tpu.memory_space<vmem>>, vector<16xf32>,
        %bitcast_convert_type3A_52 = tpu.bitcast %get3A_51 : vector<16xf32> -> vector<16xi32>
        %ne3A_53 = arith.constant 0 : i32
        %ne3A_54 = vector.broadcast %ne3A_53 : i32 to vector<16xi32>
        %ne3A_55 = arith.cmpi ne, %bitcast_convert_type3A_52, %ne3A_54 : vector<16xi32>
        %shift_right_logical3A_56 = arith.constant 17 : i32
        %shift_right_logical3A_57 = vector.broadcast %shift_right_logical3A_56 : i32 to vector<16xi32>
        %shift_right_logical3A_58 = arith.shrui %bitcast_convert_type3A_52, %shift_right_logical3A_57 : vector<16xi32>
        tpu.vector_store_idx %arg5[%shift_right_logical3A_58], %get3A_51 masked %ne3A_55 {add = true} : memref<8576xf32, #tpu.memory_space<vmem>>[vector<16xi32>], vector<16xf32>, vector<16xi1>
        %scan3A_59 = arith.constant 3 : i32
        %scan3A_60 = arith.addi %scan3A_25, %scan3A_59 : i32
        %mul3A_61 = arith.constant 16 : i32
        %mul3A_62 = arith.muli %scan3A_60, %mul3A_61 : i32
        %get3A_63 = arith.index_cast %mul3A_62 : i32 to index
        %get3A_64 = tpu.vector_load %arg4[%get3A_63] {strides = array<i32>} : memref<16384xf32, #tpu.memory_space<vmem>>, vector<16xf32>,
        %bitcast_convert_type3A_65 = tpu.bitcast %get3A_64 : vector<16xf32> -> vector<16xi32>
        %ne3A_66 = arith.constant 0 : i32
        %ne3A_67 = vector.broadcast %ne3A_66 : i32 to vector<16xi32>
        %ne3A_68 = arith.cmpi ne, %bitcast_convert_type3A_65, %ne3A_67 : vector<16xi32>
        %shift_right_logical3A_69 = arith.constant 17 : i32
        %shift_right_logical3A_70 = vector.broadcast %shift_right_logical3A_69 : i32 to vector<16xi32>
        %shift_right_logical3A_71 = arith.shrui %bitcast_convert_type3A_65, %shift_right_logical3A_70 : vector<16xi32>
        tpu.vector_store_idx %arg5[%shift_right_logical3A_71], %get3A_64 masked %ne3A_68 {add = true} : memref<8576xf32, #tpu.memory_space<vmem>>[vector<16xi32>], vector<16xf32>, vector<16xi1>
        %scan3A_72 = arith.constant 4 : i32
        %scan3A_73 = arith.addi %scan3A_25, %scan3A_72 : i32
        %mul3A_74 = arith.constant 16 : i32
        %mul3A_75 = arith.muli %scan3A_73, %mul3A_74 : i32
        %get3A_76 = arith.index_cast %mul3A_75 : i32 to index
        %get3A_77 = tpu.vector_load %arg4[%get3A_76] {strides = array<i32>} : memref<16384xf32, #tpu.memory_space<vmem>>, vector<16xf32>,
        %bitcast_convert_type3A_78 = tpu.bitcast %get3A_77 : vector<16xf32> -> vector<16xi32>
        %ne3A_79 = arith.constant 0 : i32
        %ne3A_80 = vector.broadcast %ne3A_79 : i32 to vector<16xi32>
        %ne3A_81 = arith.cmpi ne, %bitcast_convert_type3A_78, %ne3A_80 : vector<16xi32>
        %shift_right_logical3A_82 = arith.constant 17 : i32
        %shift_right_logical3A_83 = vector.broadcast %shift_right_logical3A_82 : i32 to vector<16xi32>
        %shift_right_logical3A_84 = arith.shrui %bitcast_convert_type3A_78, %shift_right_logical3A_83 : vector<16xi32>
        tpu.vector_store_idx %arg5[%shift_right_logical3A_84], %get3A_77 masked %ne3A_81 {add = true} : memref<8576xf32, #tpu.memory_space<vmem>>[vector<16xi32>], vector<16xf32>, vector<16xi1>
        %scan3A_85 = arith.constant 5 : i32
        %scan3A_86 = arith.addi %scan3A_25, %scan3A_85 : i32
        %mul3A_87 = arith.constant 16 : i32
        %mul3A_88 = arith.muli %scan3A_86, %mul3A_87 : i32
        %get3A_89 = arith.index_cast %mul3A_88 : i32 to index
        %get3A_90 = tpu.vector_load %arg4[%get3A_89] {strides = array<i32>} : memref<16384xf32, #tpu.memory_space<vmem>>, vector<16xf32>,
        %bitcast_convert_type3A_91 = tpu.bitcast %get3A_90 : vector<16xf32> -> vector<16xi32>
        %ne3A_92 = arith.constant 0 : i32
        %ne3A_93 = vector.broadcast %ne3A_92 : i32 to vector<16xi32>
        %ne3A_94 = arith.cmpi ne, %bitcast_convert_type3A_91, %ne3A_93 : vector<16xi32>
        %shift_right_logical3A_95 = arith.constant 17 : i32
        %shift_right_logical3A_96 = vector.broadcast %shift_right_logical3A_95 : i32 to vector<16xi32>
        %shift_right_logical3A_97 = arith.shrui %bitcast_convert_type3A_91, %shift_right_logical3A_96 : vector<16xi32>
        tpu.vector_store_idx %arg5[%shift_right_logical3A_97], %get3A_90 masked %ne3A_94 {add = true} : memref<8576xf32, #tpu.memory_space<vmem>>[vector<16xi32>], vector<16xf32>, vector<16xi1>
        %scan3A_98 = arith.constant 6 : i32
        %scan3A_99 = arith.addi %scan3A_25, %scan3A_98 : i32
        %mul3A_100 = arith.constant 16 : i32
        %mul3A_101 = arith.muli %scan3A_99, %mul3A_100 : i32
        %get3A_102 = arith.index_cast %mul3A_101 : i32 to index
        %get3A_103 = tpu.vector_load %arg4[%get3A_102] {strides = array<i32>} : memref<16384xf32, #tpu.memory_space<vmem>>, vector<16xf32>,
        %bitcast_convert_type3A_104 = tpu.bitcast %get3A_103 : vector<16xf32> -> vector<16xi32>
        %ne3A_105 = arith.constant 0 : i32
        %ne3A_106 = vector.broadcast %ne3A_105 : i32 to vector<16xi32>
        %ne3A_107 = arith.cmpi ne, %bitcast_convert_type3A_104, %ne3A_106 : vector<16xi32>
        %shift_right_logical3A_108 = arith.constant 17 : i32
        %shift_right_logical3A_109 = vector.broadcast %shift_right_logical3A_108 : i32 to vector<16xi32>
        %shift_right_logical3A_110 = arith.shrui %bitcast_convert_type3A_104, %shift_right_logical3A_109 : vector<16xi32>
        tpu.vector_store_idx %arg5[%shift_right_logical3A_110], %get3A_103 masked %ne3A_107 {add = true} : memref<8576xf32, #tpu.memory_space<vmem>>[vector<16xi32>], vector<16xf32>, vector<16xi1>
        %scan3A_111 = arith.constant 7 : i32
        %scan3A_112 = arith.addi %scan3A_25, %scan3A_111 : i32
        %mul3A_113 = arith.constant 16 : i32
        %mul3A_114 = arith.muli %scan3A_112, %mul3A_113 : i32
        %get3A_115 = arith.index_cast %mul3A_114 : i32 to index
        %get3A_116 = tpu.vector_load %arg4[%get3A_115] {strides = array<i32>} : memref<16384xf32, #tpu.memory_space<vmem>>, vector<16xf32>,
        %bitcast_convert_type3A_117 = tpu.bitcast %get3A_116 : vector<16xf32> -> vector<16xi32>
        %ne3A_118 = arith.constant 0 : i32
        %ne3A_119 = vector.broadcast %ne3A_118 : i32 to vector<16xi32>
        %ne3A_120 = arith.cmpi ne, %bitcast_convert_type3A_117, %ne3A_119 : vector<16xi32>
        %shift_right_logical3A_121 = arith.constant 17 : i32
        %shift_right_logical3A_122 = vector.broadcast %shift_right_logical3A_121 : i32 to vector<16xi32>
        %shift_right_logical3A_123 = arith.shrui %bitcast_convert_type3A_117, %shift_right_logical3A_122 : vector<16xi32>
        tpu.vector_store_idx %arg5[%shift_right_logical3A_123], %get3A_116 masked %ne3A_120 {add = true} : memref<8576xf32, #tpu.memory_space<vmem>>[vector<16xi32>], vector<16xf32>, vector<16xi1>
      }
      %scan3A_24 = arith.constant 1024 : i32
    }
    %scan3A_14 = arith.constant 4 : i32
    "tpu.region"() ({
      %run_scoped3A = tpu.sem_alloc : memref<!tpu.dma_semaphore, #tpu.memory_space<semaphore_mem>>
      %dma_start3A = arith.constant 0 : i32
      %dma_start3A_15 = tpu.memref_slice %arg3[%add3A, %dma_start3A] : memref<32x8576xf32, #tpu.memory_space<hbm>> -> memref<1x8576xf32, #tpu.memory_space<hbm>>
      %dma_start3A_16 = tpu.memref_squeeze %dma_start3A_15 : memref<1x8576xf32, #tpu.memory_space<hbm>> -> memref<8576xf32, #tpu.memory_space<hbm>>
      %dma_start3A_17 = arith.constant 0 : i32
      %dma_start3A_18 = tpu.memref_slice %arg3[%add3A, %dma_start3A_17] : memref<32x8576xf32, #tpu.memory_space<hbm>> -> memref<1x8576xf32, #tpu.memory_space<hbm>>
      %dma_start3A_19 = tpu.memref_squeeze %dma_start3A_18 : memref<1x8576xf32, #tpu.memory_space<hbm>> -> memref<8576xf32, #tpu.memory_space<hbm>>
      tpu.enqueue_dma source(%arg5 : memref<8576xf32, #tpu.memory_space<vmem>>) target(%dma_start3A_19 : memref<8576xf32, #tpu.memory_space<hbm>>) target_semaphore(%run_scoped3A : memref<!tpu.dma_semaphore, #tpu.memory_space<semaphore_mem>>)
      %dma_wait3A = arith.constant 0 : i32
      %dma_wait3A_20 = tpu.memref_slice %arg3[%add3A, %dma_wait3A] : memref<32x8576xf32, #tpu.memory_space<hbm>> -> memref<1x8576xf32, #tpu.memory_space<hbm>>
      %dma_wait3A_21 = tpu.memref_squeeze %dma_wait3A_20 : memref<1x8576xf32, #tpu.memory_space<hbm>> -> memref<8576xf32, #tpu.memory_space<hbm>>
      %dma_wait3A_22 = arith.constant 0 : i32
      %dma_wait3A_23 = tpu.memref_slice %arg3[%add3A, %dma_wait3A_22] : memref<32x8576xf32, #tpu.memory_space<hbm>> -> memref<1x8576xf32, #tpu.memory_space<hbm>>
      %dma_wait3A_24 = tpu.memref_squeeze %dma_wait3A_23 : memref<1x8576xf32, #tpu.memory_space<hbm>> -> memref<8576xf32, #tpu.memory_space<hbm>>
      tpu.wait_dma2 semaphore(%run_scoped3A : memref<!tpu.dma_semaphore, #tpu.memory_space<semaphore_mem>>) src(%arg5 : memref<8576xf32, #tpu.memory_space<vmem>>) dst(%dma_wait3A_24 : memref<8576xf32, #tpu.memory_space<hbm>>)
      tpu.yield
    }) : () -> ()
    return
  }
}

#map = affine_map<(d0, d1) -> (0)>
#map1 = affine_map<(d0, d1) -> (0, 0)>
module attributes {stable_mosaic.version = 14 : i64} {
  func.func @_sc_hist_kernel(%arg0: i32, %arg1: i32, %arg2: memref<2097152xf32, #tpu.memory_space<hbm>>, %arg3: memref<32x8576xf32, #tpu.memory_space<hbm>>, %arg4: memref<16384xf32, #tpu.memory_space<vmem>>, %arg5: memref<8576xf32, #tpu.memory_space<vmem>>) attributes {dimension_semantics = [#tpu.dimension_semantics<core_parallel>, #tpu.dimension_semantics<subcore_parallel>], iteration_bounds = array<i64: 2, 16>, scalar_prefetch = 0 : i64, scratch_operands = 2 : i64, tpu.core_type = #tpu.core_type<sc_vector_subcore>, window_params = [{transform_indices = #map}, {transform_indices = #map1}]} {
    %mul3A = arith.constant 2 : i32
    %mul3A_0 = arith.muli %arg1, %mul3A : i32
    %add3A = arith.addi %mul3A_0, %arg0 : i32
    %mul3A_1 = arith.constant 65536 : i32
    %mul3A_2 = arith.muli %add3A, %mul3A_1 : i32
    %broadcast_in_dim3A = arith.constant 0.000000e+00 : f32
    %broadcast_in_dim3A_3 = vector.broadcast %broadcast_in_dim3A : f32 to vector<16xf32>
    %scan3A = arith.constant 0 : i32
    %scan3A_4 = arith.constant 0 : i32
    %scan3A_5 = arith.constant 536 : i32
    %scan3A_6 = arith.addi %scan3A_4, %scan3A_5 : i32
    %scan3A_7 = arith.constant 8 : i32
    scf.for %scan3A_15 = %scan3A_4 to %scan3A_6 step %scan3A_7  : i32 {
      %mul3A_16 = arith.constant 16 : i32
      %mul3A_17 = arith.muli %scan3A_15, %mul3A_16 : i32
      %swap3A = arith.index_cast %mul3A_17 : i32 to index
      %swap3A_18 = tpu.vector_load %arg5[%swap3A] {strides = array<i32>} : memref<8576xf32, #tpu.memory_space<vmem>>, vector<16xf32>,
      tpu.vector_store %arg5[%swap3A], %broadcast_in_dim3A_3 {strides = array<i32>} : memref<8576xf32, #tpu.memory_space<vmem>>, vector<16xf32>,
      %scan3A_19 = arith.constant 1 : i32
      %scan3A_20 = arith.addi %scan3A_15, %scan3A_19 : i32
      %mul3A_21 = arith.constant 16 : i32
      %mul3A_22 = arith.muli %scan3A_20, %mul3A_21 : i32
      %swap3A_23 = arith.index_cast %mul3A_22 : i32 to index
      %swap3A_24 = tpu.vector_load %arg5[%swap3A_23] {strides = array<i32>} : memref<8576xf32, #tpu.memory_space<vmem>>, vector<16xf32>,
      tpu.vector_store %arg5[%swap3A_23], %broadcast_in_dim3A_3 {strides = array<i32>} : memref<8576xf32, #tpu.memory_space<vmem>>, vector<16xf32>,
      %scan3A_25 = arith.constant 2 : i32
      %scan3A_26 = arith.addi %scan3A_15, %scan3A_25 : i32
      %mul3A_27 = arith.constant 16 : i32
      %mul3A_28 = arith.muli %scan3A_26, %mul3A_27 : i32
      %swap3A_29 = arith.index_cast %mul3A_28 : i32 to index
      %swap3A_30 = tpu.vector_load %arg5[%swap3A_29] {strides = array<i32>} : memref<8576xf32, #tpu.memory_space<vmem>>, vector<16xf32>,
      tpu.vector_store %arg5[%swap3A_29], %broadcast_in_dim3A_3 {strides = array<i32>} : memref<8576xf32, #tpu.memory_space<vmem>>, vector<16xf32>,
      %scan3A_31 = arith.constant 3 : i32
      %scan3A_32 = arith.addi %scan3A_15, %scan3A_31 : i32
      %mul3A_33 = arith.constant 16 : i32
      %mul3A_34 = arith.muli %scan3A_32, %mul3A_33 : i32
      %swap3A_35 = arith.index_cast %mul3A_34 : i32 to index
      %swap3A_36 = tpu.vector_load %arg5[%swap3A_35] {strides = array<i32>} : memref<8576xf32, #tpu.memory_space<vmem>>, vector<16xf32>,
      tpu.vector_store %arg5[%swap3A_35], %broadcast_in_dim3A_3 {strides = array<i32>} : memref<8576xf32, #tpu.memory_space<vmem>>, vector<16xf32>,
      %scan3A_37 = arith.constant 4 : i32
      %scan3A_38 = arith.addi %scan3A_15, %scan3A_37 : i32
      %mul3A_39 = arith.constant 16 : i32
      %mul3A_40 = arith.muli %scan3A_38, %mul3A_39 : i32
      %swap3A_41 = arith.index_cast %mul3A_40 : i32 to index
      %swap3A_42 = tpu.vector_load %arg5[%swap3A_41] {strides = array<i32>} : memref<8576xf32, #tpu.memory_space<vmem>>, vector<16xf32>,
      tpu.vector_store %arg5[%swap3A_41], %broadcast_in_dim3A_3 {strides = array<i32>} : memref<8576xf32, #tpu.memory_space<vmem>>, vector<16xf32>,
      %scan3A_43 = arith.constant 5 : i32
      %scan3A_44 = arith.addi %scan3A_15, %scan3A_43 : i32
      %mul3A_45 = arith.constant 16 : i32
      %mul3A_46 = arith.muli %scan3A_44, %mul3A_45 : i32
      %swap3A_47 = arith.index_cast %mul3A_46 : i32 to index
      %swap3A_48 = tpu.vector_load %arg5[%swap3A_47] {strides = array<i32>} : memref<8576xf32, #tpu.memory_space<vmem>>, vector<16xf32>,
      tpu.vector_store %arg5[%swap3A_47], %broadcast_in_dim3A_3 {strides = array<i32>} : memref<8576xf32, #tpu.memory_space<vmem>>, vector<16xf32>,
      %scan3A_49 = arith.constant 6 : i32
      %scan3A_50 = arith.addi %scan3A_15, %scan3A_49 : i32
      %mul3A_51 = arith.constant 16 : i32
      %mul3A_52 = arith.muli %scan3A_50, %mul3A_51 : i32
      %swap3A_53 = arith.index_cast %mul3A_52 : i32 to index
      %swap3A_54 = tpu.vector_load %arg5[%swap3A_53] {strides = array<i32>} : memref<8576xf32, #tpu.memory_space<vmem>>, vector<16xf32>,
      tpu.vector_store %arg5[%swap3A_53], %broadcast_in_dim3A_3 {strides = array<i32>} : memref<8576xf32, #tpu.memory_space<vmem>>, vector<16xf32>,
      %scan3A_55 = arith.constant 7 : i32
      %scan3A_56 = arith.addi %scan3A_15, %scan3A_55 : i32
      %mul3A_57 = arith.constant 16 : i32
      %mul3A_58 = arith.muli %scan3A_56, %mul3A_57 : i32
      %swap3A_59 = arith.index_cast %mul3A_58 : i32 to index
      %swap3A_60 = tpu.vector_load %arg5[%swap3A_59] {strides = array<i32>} : memref<8576xf32, #tpu.memory_space<vmem>>, vector<16xf32>,
      tpu.vector_store %arg5[%swap3A_59], %broadcast_in_dim3A_3 {strides = array<i32>} : memref<8576xf32, #tpu.memory_space<vmem>>, vector<16xf32>,
    }
    %scan3A_8 = arith.constant 536 : i32
    %scan3A_9 = arith.constant 0 : i32
    %scan3A_10 = arith.constant 0 : i32
    %scan3A_11 = arith.constant 4 : i32
    %scan3A_12 = arith.addi %scan3A_10, %scan3A_11 : i32
    %scan3A_13 = arith.constant 1 : i32
    scf.for %scan3A_15 = %scan3A_10 to %scan3A_12 step %scan3A_13  : i32 {
      %mul3A_16 = arith.constant 16384 : i32
      %mul3A_17 = arith.muli %scan3A_15, %mul3A_16 : i32
      %add3A_18 = arith.addi %mul3A_2, %mul3A_17 : i32
      "tpu.region"() ({
        %run_scoped3A = tpu.sem_alloc : memref<!tpu.dma_semaphore, #tpu.memory_space<semaphore_mem>>
        %dma_start3A = tpu.memref_slice %arg2[%add3A_18] : memref<2097152xf32, #tpu.memory_space<hbm>> -> memref<16384xf32, #tpu.memory_space<hbm>>
        %dma_start3A_25 = tpu.memref_slice %arg2[%add3A_18] : memref<2097152xf32, #tpu.memory_space<hbm>> -> memref<16384xf32, #tpu.memory_space<hbm>>
        tpu.enqueue_dma source(%dma_start3A_25 : memref<16384xf32, #tpu.memory_space<hbm>>) target(%arg4 : memref<16384xf32, #tpu.memory_space<vmem>>) target_semaphore(%run_scoped3A : memref<!tpu.dma_semaphore, #tpu.memory_space<semaphore_mem>>)
        %dma_wait3A = tpu.memref_slice %arg2[%add3A_18] : memref<2097152xf32, #tpu.memory_space<hbm>> -> memref<16384xf32, #tpu.memory_space<hbm>>
        %dma_wait3A_26 = tpu.memref_slice %arg2[%add3A_18] : memref<2097152xf32, #tpu.memory_space<hbm>> -> memref<16384xf32, #tpu.memory_space<hbm>>
        tpu.wait_dma2 semaphore(%run_scoped3A : memref<!tpu.dma_semaphore, #tpu.memory_space<semaphore_mem>>) src(%dma_wait3A_26 : memref<16384xf32, #tpu.memory_space<hbm>>) dst(%arg4 : memref<16384xf32, #tpu.memory_space<vmem>>)
        tpu.yield
      }) : () -> ()
      %scan3A_19 = arith.constant 0 : i32
      %scan3A_20 = arith.constant 0 : i32
      %scan3A_21 = arith.constant 1024 : i32
      %scan3A_22 = arith.addi %scan3A_20, %scan3A_21 : i32
      %scan3A_23 = arith.constant 8 : i32
      scf.for %scan3A_25 = %scan3A_20 to %scan3A_22 step %scan3A_23  : i32 {
        %mul3A_26 = arith.constant 16 : i32
        %mul3A_27 = arith.muli %scan3A_25, %mul3A_26 : i32
        %get3A = arith.index_cast %mul3A_27 : i32 to index
        %get3A_28 = tpu.vector_load %arg4[%get3A] {strides = array<i32>} : memref<16384xf32, #tpu.memory_space<vmem>>, vector<16xf32>,
        %bitcast_convert_type3A = tpu.bitcast %get3A_28 : vector<16xf32> -> vector<16xi32>
        %ne3A = arith.constant 0 : i32
        %ne3A_29 = vector.broadcast %ne3A : i32 to vector<16xi32>
        %ne3A_30 = arith.cmpi ne, %bitcast_convert_type3A, %ne3A_29 : vector<16xi32>
        %shift_right_logical3A = arith.constant 17 : i32
        %shift_right_logical3A_31 = vector.broadcast %shift_right_logical3A : i32 to vector<16xi32>
        %shift_right_logical3A_32 = arith.shrui %bitcast_convert_type3A, %shift_right_logical3A_31 : vector<16xi32>
        tpu.vector_store_idx %arg5[%shift_right_logical3A_32], %get3A_28 masked %ne3A_30 {add = true} : memref<8576xf32, #tpu.memory_space<vmem>>[vector<16xi32>], vector<16xf32>, vector<16xi1>
        %scan3A_33 = arith.constant 1 : i32
        %scan3A_34 = arith.addi %scan3A_25, %scan3A_33 : i32
        %mul3A_35 = arith.constant 16 : i32
        %mul3A_36 = arith.muli %scan3A_34, %mul3A_35 : i32
        %get3A_37 = arith.index_cast %mul3A_36 : i32 to index
        %get3A_38 = tpu.vector_load %arg4[%get3A_37] {strides = array<i32>} : memref<16384xf32, #tpu.memory_space<vmem>>, vector<16xf32>,
        %bitcast_convert_type3A_39 = tpu.bitcast %get3A_38 : vector<16xf32> -> vector<16xi32>
        %ne3A_40 = arith.constant 0 : i32
        %ne3A_41 = vector.broadcast %ne3A_40 : i32 to vector<16xi32>
        %ne3A_42 = arith.cmpi ne, %bitcast_convert_type3A_39, %ne3A_41 : vector<16xi32>
        %shift_right_logical3A_43 = arith.constant 17 : i32
        %shift_right_logical3A_44 = vector.broadcast %shift_right_logical3A_43 : i32 to vector<16xi32>
        %shift_right_logical3A_45 = arith.shrui %bitcast_convert_type3A_39, %shift_right_logical3A_44 : vector<16xi32>
        tpu.vector_store_idx %arg5[%shift_right_logical3A_45], %get3A_38 masked %ne3A_42 {add = true} : memref<8576xf32, #tpu.memory_space<vmem>>[vector<16xi32>], vector<16xf32>, vector<16xi1>
        %scan3A_46 = arith.constant 2 : i32
        %scan3A_47 = arith.addi %scan3A_25, %scan3A_46 : i32
        %mul3A_48 = arith.constant 16 : i32
        %mul3A_49 = arith.muli %scan3A_47, %mul3A_48 : i32
        %get3A_50 = arith.index_cast %mul3A_49 : i32 to index
        %get3A_51 = tpu.vector_load %arg4[%get3A_50] {strides = array<i32>} : memref<16384xf32, #tpu.memory_space<vmem>>, vector<16xf32>,
        %bitcast_convert_type3A_52 = tpu.bitcast %get3A_51 : vector<16xf32> -> vector<16xi32>
        %ne3A_53 = arith.constant 0 : i32
        %ne3A_54 = vector.broadcast %ne3A_53 : i32 to vector<16xi32>
        %ne3A_55 = arith.cmpi ne, %bitcast_convert_type3A_52, %ne3A_54 : vector<16xi32>
        %shift_right_logical3A_56 = arith.constant 17 : i32
        %shift_right_logical3A_57 = vector.broadcast %shift_right_logical3A_56 : i32 to vector<16xi32>
        %shift_right_logical3A_58 = arith.shrui %bitcast_convert_type3A_52, %shift_right_logical3A_57 : vector<16xi32>
        tpu.vector_store_idx %arg5[%shift_right_logical3A_58], %get3A_51 masked %ne3A_55 {add = true} : memref<8576xf32, #tpu.memory_space<vmem>>[vector<16xi32>], vector<16xf32>, vector<16xi1>
        %scan3A_59 = arith.constant 3 : i32
        %scan3A_60 = arith.addi %scan3A_25, %scan3A_59 : i32
        %mul3A_61 = arith.constant 16 : i32
        %mul3A_62 = arith.muli %scan3A_60, %mul3A_61 : i32
        %get3A_63 = arith.index_cast %mul3A_62 : i32 to index
        %get3A_64 = tpu.vector_load %arg4[%get3A_63] {strides = array<i32>} : memref<16384xf32, #tpu.memory_space<vmem>>, vector<16xf32>,
        %bitcast_convert_type3A_65 = tpu.bitcast %get3A_64 : vector<16xf32> -> vector<16xi32>
        %ne3A_66 = arith.constant 0 : i32
        %ne3A_67 = vector.broadcast %ne3A_66 : i32 to vector<16xi32>
        %ne3A_68 = arith.cmpi ne, %bitcast_convert_type3A_65, %ne3A_67 : vector<16xi32>
        %shift_right_logical3A_69 = arith.constant 17 : i32
        %shift_right_logical3A_70 = vector.broadcast %shift_right_logical3A_69 : i32 to vector<16xi32>
        %shift_right_logical3A_71 = arith.shrui %bitcast_convert_type3A_65, %shift_right_logical3A_70 : vector<16xi32>
        tpu.vector_store_idx %arg5[%shift_right_logical3A_71], %get3A_64 masked %ne3A_68 {add = true} : memref<8576xf32, #tpu.memory_space<vmem>>[vector<16xi32>], vector<16xf32>, vector<16xi1>
        %scan3A_72 = arith.constant 4 : i32
        %scan3A_73 = arith.addi %scan3A_25, %scan3A_72 : i32
        %mul3A_74 = arith.constant 16 : i32
        %mul3A_75 = arith.muli %scan3A_73, %mul3A_74 : i32
        %get3A_76 = arith.index_cast %mul3A_75 : i32 to index
        %get3A_77 = tpu.vector_load %arg4[%get3A_76] {strides = array<i32>} : memref<16384xf32, #tpu.memory_space<vmem>>, vector<16xf32>,
        %bitcast_convert_type3A_78 = tpu.bitcast %get3A_77 : vector<16xf32> -> vector<16xi32>
        %ne3A_79 = arith.constant 0 : i32
        %ne3A_80 = vector.broadcast %ne3A_79 : i32 to vector<16xi32>
        %ne3A_81 = arith.cmpi ne, %bitcast_convert_type3A_78, %ne3A_80 : vector<16xi32>
        %shift_right_logical3A_82 = arith.constant 17 : i32
        %shift_right_logical3A_83 = vector.broadcast %shift_right_logical3A_82 : i32 to vector<16xi32>
        %shift_right_logical3A_84 = arith.shrui %bitcast_convert_type3A_78, %shift_right_logical3A_83 : vector<16xi32>
        tpu.vector_store_idx %arg5[%shift_right_logical3A_84], %get3A_77 masked %ne3A_81 {add = true} : memref<8576xf32, #tpu.memory_space<vmem>>[vector<16xi32>], vector<16xf32>, vector<16xi1>
        %scan3A_85 = arith.constant 5 : i32
        %scan3A_86 = arith.addi %scan3A_25, %scan3A_85 : i32
        %mul3A_87 = arith.constant 16 : i32
        %mul3A_88 = arith.muli %scan3A_86, %mul3A_87 : i32
        %get3A_89 = arith.index_cast %mul3A_88 : i32 to index
        %get3A_90 = tpu.vector_load %arg4[%get3A_89] {strides = array<i32>} : memref<16384xf32, #tpu.memory_space<vmem>>, vector<16xf32>,
        %bitcast_convert_type3A_91 = tpu.bitcast %get3A_90 : vector<16xf32> -> vector<16xi32>
        %ne3A_92 = arith.constant 0 : i32
        %ne3A_93 = vector.broadcast %ne3A_92 : i32 to vector<16xi32>
        %ne3A_94 = arith.cmpi ne, %bitcast_convert_type3A_91, %ne3A_93 : vector<16xi32>
        %shift_right_logical3A_95 = arith.constant 17 : i32
        %shift_right_logical3A_96 = vector.broadcast %shift_right_logical3A_95 : i32 to vector<16xi32>
        %shift_right_logical3A_97 = arith.shrui %bitcast_convert_type3A_91, %shift_right_logical3A_96 : vector<16xi32>
        tpu.vector_store_idx %arg5[%shift_right_logical3A_97], %get3A_90 masked %ne3A_94 {add = true} : memref<8576xf32, #tpu.memory_space<vmem>>[vector<16xi32>], vector<16xf32>, vector<16xi1>
        %scan3A_98 = arith.constant 6 : i32
        %scan3A_99 = arith.addi %scan3A_25, %scan3A_98 : i32
        %mul3A_100 = arith.constant 16 : i32
        %mul3A_101 = arith.muli %scan3A_99, %mul3A_100 : i32
        %get3A_102 = arith.index_cast %mul3A_101 : i32 to index
        %get3A_103 = tpu.vector_load %arg4[%get3A_102] {strides = array<i32>} : memref<16384xf32, #tpu.memory_space<vmem>>, vector<16xf32>,
        %bitcast_convert_type3A_104 = tpu.bitcast %get3A_103 : vector<16xf32> -> vector<16xi32>
        %ne3A_105 = arith.constant 0 : i32
        %ne3A_106 = vector.broadcast %ne3A_105 : i32 to vector<16xi32>
        %ne3A_107 = arith.cmpi ne, %bitcast_convert_type3A_104, %ne3A_106 : vector<16xi32>
        %shift_right_logical3A_108 = arith.constant 17 : i32
        %shift_right_logical3A_109 = vector.broadcast %shift_right_logical3A_108 : i32 to vector<16xi32>
        %shift_right_logical3A_110 = arith.shrui %bitcast_convert_type3A_104, %shift_right_logical3A_109 : vector<16xi32>
        tpu.vector_store_idx %arg5[%shift_right_logical3A_110], %get3A_103 masked %ne3A_107 {add = true} : memref<8576xf32, #tpu.memory_space<vmem>>[vector<16xi32>], vector<16xf32>, vector<16xi1>
        %scan3A_111 = arith.constant 7 : i32
        %scan3A_112 = arith.addi %scan3A_25, %scan3A_111 : i32
        %mul3A_113 = arith.constant 16 : i32
        %mul3A_114 = arith.muli %scan3A_112, %mul3A_113 : i32
        %get3A_115 = arith.index_cast %mul3A_114 : i32 to index
        %get3A_116 = tpu.vector_load %arg4[%get3A_115] {strides = array<i32>} : memref<16384xf32, #tpu.memory_space<vmem>>, vector<16xf32>,
        %bitcast_convert_type3A_117 = tpu.bitcast %get3A_116 : vector<16xf32> -> vector<16xi32>
        %ne3A_118 = arith.constant 0 : i32
        %ne3A_119 = vector.broadcast %ne3A_118 : i32 to vector<16xi32>
        %ne3A_120 = arith.cmpi ne, %bitcast_convert_type3A_117, %ne3A_119 : vector<16xi32>
        %shift_right_logical3A_121 = arith.constant 17 : i32
        %shift_right_logical3A_122 = vector.broadcast %shift_right_logical3A_121 : i32 to vector<16xi32>
        %shift_right_logical3A_123 = arith.shrui %bitcast_convert_type3A_117, %shift_right_logical3A_122 : vector<16xi32>
        tpu.vector_store_idx %arg5[%shift_right_logical3A_123], %get3A_116 masked %ne3A_120 {add = true} : memref<8576xf32, #tpu.memory_space<vmem>>[vector<16xi32>], vector<16xf32>, vector<16xi1>
      }
      %scan3A_24 = arith.constant 1024 : i32
    }
    %scan3A_14 = arith.constant 4 : i32
    "tpu.region"() ({
      %run_scoped3A = tpu.sem_alloc : memref<!tpu.dma_semaphore, #tpu.memory_space<semaphore_mem>>
      %dma_start3A = arith.constant 0 : i32
      %dma_start3A_15 = tpu.memref_slice %arg3[%add3A, %dma_start3A] : memref<32x8576xf32, #tpu.memory_space<hbm>> -> memref<1x8576xf32, #tpu.memory_space<hbm>>
      %dma_start3A_16 = tpu.memref_squeeze %dma_start3A_15 : memref<1x8576xf32, #tpu.memory_space<hbm>> -> memref<8576xf32, #tpu.memory_space<hbm>>
      %dma_start3A_17 = arith.constant 0 : i32
      %dma_start3A_18 = tpu.memref_slice %arg3[%add3A, %dma_start3A_17] : memref<32x8576xf32, #tpu.memory_space<hbm>> -> memref<1x8576xf32, #tpu.memory_space<hbm>>
      %dma_start3A_19 = tpu.memref_squeeze %dma_start3A_18 : memref<1x8576xf32, #tpu.memory_space<hbm>> -> memref<8576xf32, #tpu.memory_space<hbm>>
      tpu.enqueue_dma source(%arg5 : memref<8576xf32, #tpu.memory_space<vmem>>) target(%dma_start3A_19 : memref<8576xf32, #tpu.memory_space<hbm>>) target_semaphore(%run_scoped3A : memref<!tpu.dma_semaphore, #tpu.memory_space<semaphore_mem>>)
      %dma_wait3A = arith.constant 0 : i32
      %dma_wait3A_20 = tpu.memref_slice %arg3[%add3A, %dma_wait3A] : memref<32x8576xf32, #tpu.memory_space<hbm>> -> memref<1x8576xf32, #tpu.memory_space<hbm>>
      %dma_wait3A_21 = tpu.memref_squeeze %dma_wait3A_20 : memref<1x8576xf32, #tpu.memory_space<hbm>> -> memref<8576xf32, #tpu.memory_space<hbm>>
      %dma_wait3A_22 = arith.constant 0 : i32
      %dma_wait3A_23 = tpu.memref_slice %arg3[%add3A, %dma_wait3A_22] : memref<32x8576xf32, #tpu.memory_space<hbm>> -> memref<1x8576xf32, #tpu.memory_space<hbm>>
      %dma_wait3A_24 = tpu.memref_squeeze %dma_wait3A_23 : memref<1x8576xf32, #tpu.memory_space<hbm>> -> memref<8576xf32, #tpu.memory_space<hbm>>
      tpu.wait_dma2 semaphore(%run_scoped3A : memref<!tpu.dma_semaphore, #tpu.memory_space<semaphore_mem>>) src(%arg5 : memref<8576xf32, #tpu.memory_space<vmem>>) dst(%dma_wait3A_24 : memref<8576xf32, #tpu.memory_space<hbm>>)
      tpu.yield
    }) : () -> ()
    return
  }
}

module attributes {stable_mosaic.version = 14 : i64} {
  func.func @_bce_body(%arg0: i32, %arg1: memref<262144xf32, #tpu.memory_space<vmem>>, %arg2: memref<262144xf32, #tpu.memory_space<vmem>>, %arg3: memref<262144xf32, #tpu.memory_space<vmem>>, %arg4: memref<1x3x128xf32, #tpu.memory_space<vmem>>) attributes {dimension_semantics = [#tpu.dimension_semantics<arbitrary>], iteration_bounds = array<i64: 8>, scalar_prefetch = 0 : i64, scratch_operands = 0 : i64, tpu.core_type = #tpu.core_type<tc>, window_params = [{transform_indices = @transform_0, window_bounds = array<i64: 262144>}, {transform_indices = @transform_1, window_bounds = array<i64: 262144>}, {transform_indices = @transform_2, window_bounds = array<i64: 262144>}, {transform_indices = @transform_3, window_bounds = array<i64: 1, 3, 128>}]} {
    %get3A = arith.constant 0 : index
    %get3A_0 = vector.load %arg1[%get3A] : memref<262144xf32, #tpu.memory_space<vmem>>, vector<262144xf32>
    %reshape3A = vector.shape_cast %get3A_0 : vector<262144xf32> to vector<2048x128xf32>
    %get3A_1 = arith.constant 0 : index
    %get3A_2 = vector.load %arg2[%get3A_1] : memref<262144xf32, #tpu.memory_space<vmem>>, vector<262144xf32>
    %reshape3A_3 = vector.shape_cast %get3A_2 : vector<262144xf32> to vector<2048x128xf32>
    %log3A = math.log %reshape3A_3 : vector<2048x128xf32>
    %max3A = arith.constant -1.000000e+02 : f32
    %max3A_4 = vector.broadcast %max3A : f32 to vector<2048x128xf32>
    %max3A_5 = arith.maximumf %log3A, %max3A_4 : vector<2048x128xf32>
    %sub3A = arith.constant 1.000000e+00 : f32
    %sub3A_6 = vector.broadcast %sub3A : f32 to vector<2048x128xf32>
    %sub3A_7 = arith.subf %sub3A_6, %reshape3A_3 : vector<2048x128xf32>
    %log3A_8 = math.log %sub3A_7 : vector<2048x128xf32>
    %max3A_9 = arith.constant -1.000000e+02 : f32
    %max3A_10 = vector.broadcast %max3A_9 : f32 to vector<2048x128xf32>
    %max3A_11 = arith.maximumf %log3A_8, %max3A_10 : vector<2048x128xf32>
    %mul3A = arith.mulf %reshape3A, %max3A_5 : vector<2048x128xf32>
    %sub3A_12 = arith.constant 1.000000e+00 : f32
    %sub3A_13 = vector.broadcast %sub3A_12 : f32 to vector<2048x128xf32>
    %sub3A_14 = arith.subf %sub3A_13, %reshape3A : vector<2048x128xf32>
    %mul3A_15 = arith.mulf %sub3A_14, %max3A_11 : vector<2048x128xf32>
    %add3A = arith.addf %mul3A, %mul3A_15 : vector<2048x128xf32>
    %neg3A = arith.constant 0.000000e+00 : f32
    %neg3A_16 = vector.broadcast %neg3A : f32 to vector<2048x128xf32>
    %neg3A_17 = arith.subf %neg3A_16, %add3A : vector<2048x128xf32>
    %ge3A = arith.constant 0.899999976 : f32
    %ge3A_18 = vector.broadcast %ge3A : f32 to vector<2048x128xf32>
    %ge3A_19 = arith.cmpf oge, %reshape3A, %ge3A_18 : vector<2048x128xf32>
    %ge3A_20 = arith.constant 8.000000e-01 : f32
    %ge3A_21 = vector.broadcast %ge3A_20 : f32 to vector<2048x128xf32>
    %ge3A_22 = arith.cmpf oge, %reshape3A, %ge3A_21 : vector<2048x128xf32>
    %lt3A = arith.constant 0.899999976 : f32
    %lt3A_23 = vector.broadcast %lt3A : f32 to vector<2048x128xf32>
    %lt3A_24 = arith.cmpf olt, %reshape3A, %lt3A_23 : vector<2048x128xf32>
    %and3A = arith.andi %ge3A_22, %lt3A_24 : vector<2048x128xi1>
    %lt3A_25 = arith.constant 8.000000e-01 : f32
    %lt3A_26 = vector.broadcast %lt3A_25 : f32 to vector<2048x128xf32>
    %lt3A_27 = arith.cmpf olt, %reshape3A, %lt3A_26 : vector<2048x128xf32>
    %jit3A = arith.constant 0.000000e+00 : f32
    %broadcast_in_dim3A = vector.broadcast %jit3A : f32 to vector<2048x128xf32>
    %select_n3A = arith.select %lt3A_27, %neg3A_17, %broadcast_in_dim3A : vector<2048x128xi1>, vector<2048x128xf32>
    %reshape3A_28 = vector.shape_cast %select_n3A : vector<2048x128xf32> to vector<262144xf32>
    %swap3A = arith.constant 0 : index
    %swap3A_29 = vector.load %arg3[%swap3A] : memref<262144xf32, #tpu.memory_space<vmem>>, vector<262144xf32>
    tpu.vector_store %arg3[%swap3A], %reshape3A_28 {strides = array<i32>} : memref<262144xf32, #tpu.memory_space<vmem>>, vector<262144xf32>,
    %convert_element_type3A = arith.extui %ge3A_19 : vector<2048x128xi1> to vector<2048x128xi32>
    %convert_element_type3A_30 = arith.sitofp %convert_element_type3A : vector<2048x128xi32> to vector<2048x128xf32>
    %reduce_sum3A = arith.constant dense<0.000000e+00> : vector<128xf32>
    %reduce_sum3A_31 = vector.multi_reduction <add>, %convert_element_type3A_30, %reduce_sum3A [0] : vector<2048x128xf32> to vector<128xf32>
    %convert_element_type3A_32 = arith.extui %and3A : vector<2048x128xi1> to vector<2048x128xi32>
    %convert_element_type3A_33 = arith.sitofp %convert_element_type3A_32 : vector<2048x128xi32> to vector<2048x128xf32>
    %reduce_sum3A_34 = arith.constant dense<0.000000e+00> : vector<128xf32>
    %reduce_sum3A_35 = vector.multi_reduction <add>, %convert_element_type3A_33, %reduce_sum3A_34 [0] : vector<2048x128xf32> to vector<128xf32>
    %jit3A_36 = arith.constant 0.000000e+00 : f32
    %broadcast_in_dim3A_37 = vector.broadcast %jit3A_36 : f32 to vector<2048x128xf32>
    %select_n3A_38 = arith.select %ge3A_19, %neg3A_17, %broadcast_in_dim3A_37 : vector<2048x128xi1>, vector<2048x128xf32>
    %reduce_sum3A_39 = arith.constant dense<0.000000e+00> : vector<128xf32>
    %reduce_sum3A_40 = vector.multi_reduction <add>, %select_n3A_38, %reduce_sum3A_39 [0] : vector<2048x128xf32> to vector<128xf32>
    %stack3A = vector.shape_cast %reduce_sum3A_31 : vector<128xf32> to vector<1x128xf32>
    %stack3A_41 = vector.shape_cast %reduce_sum3A_35 : vector<128xf32> to vector<1x128xf32>
    %stack3A_42 = vector.shape_cast %reduce_sum3A_40 : vector<128xf32> to vector<1x128xf32>
    %stack3A_43 = tpu.concatenate %stack3A, %stack3A_41, %stack3A_42 in 0 : vector<1x128xf32>, vector<1x128xf32>, vector<1x128xf32> -> vector<3x128xf32>
    %broadcast_in_dim3A_44 = vector.shape_cast %stack3A_43 : vector<3x128xf32> to vector<1x3x128xf32>
    %swap3A_45 = arith.constant 0 : index
    %swap3A_46 = arith.constant 0 : index
    %swap3A_47 = arith.constant 0 : index
    %swap3A_48 = vector.load %arg4[%swap3A_45, %swap3A_46, %swap3A_47] : memref<1x3x128xf32, #tpu.memory_space<vmem>>, vector<1x3x128xf32>
    tpu.vector_store %arg4[%swap3A_45, %swap3A_46, %swap3A_47], %broadcast_in_dim3A_44 {strides = array<i32>} : memref<1x3x128xf32, #tpu.memory_space<vmem>>, vector<1x3x128xf32>,
    return
  }
  func.func @transform_0(%arg0: i32) -> i32 {
    %c0_i32 = arith.constant 0 : i32
    return %arg0 : i32
  }
  func.func @transform_1(%arg0: i32) -> i32 {
    %c0_i32 = arith.constant 0 : i32
    return %arg0 : i32
  }
  func.func @transform_2(%arg0: i32) -> i32 {
    %c0_i32 = arith.constant 0 : i32
    return %arg0 : i32
  }
  func.func @transform_3(%arg0: i32) -> (i32, i32, i32) {
    %c0_i32 = arith.constant 0 : i32
    %c0_i32_0 = arith.constant 0 : i32
    %c0_i32_1 = arith.constant 0 : i32
    return %arg0, %c0_i32, %c0_i32_0 : i32, i32, i32
  }
}

</mosaic_0001>

<sc_bundles>
// kernel: kernel.6.cloned.1.call-start
scs
__scs_entry_jumppad:
0x0: {  	(pc) =	sbr.rel $0x88, $3  }
0x1: {  	(tag) =	ssettag $0x0;
	lr =	simm.s32 $0x1  }
0x2: {  	[smem:$0x3F9F] =	sst lr;
	_ =	strace $0xD0000000  }
0x3: {  	_ = 	snop  }
0x4: {  	_ = 	snop  }
0x5: {  	_ = 	snop  }
0x6: {  	_ = 	snop  }
0x7: {  	_ = 	snop  }
__scs_overlays_trampoline_lowered:
0x8: {  	[smem:$0x3FAE] =	sst s0  }
0x9: {  	[smem:$0x3FAF] =	sst s1  }
0xa: {  	[smem:$0x3FB0] =	sst s2  }
0xb: {  	[smem:$0x3FB1] =	sst s3  }
0xc: {  	[smem:$0x3FB2] =	sst s4  }
0xd: {  	[smem:$0x3FB3] =	sst s5  }
0xe: {  	[smem:$0x3FB4] =	sst s6  }
0xf: {  	[smem:$0x3FB5] =	sst s7  }
0x10: {  	[smem:$0x3FB6] =	sst s8  }
0x11: {  	[smem:$0x3FB7] =	sst s9;
	s0 =	simm.s32 @!p0 $0x0  }
0x12: {  	s1 =	sld [smem:$0x3F9D];
	s0 =	simm.s32 @p0 $0x1  }
0x13: {  	[smem:$0x3FB8] =	sst s0;
	s0 =	simm.s32 @!p1 $0x0  }
0x14: {  	s2 =	sld [smem:$0x3F9C];
	s0 =	simm.s32 @p1 $0x1  }
0x15: {  	[smem:$0x3FB9] =	sst s0;
	s0 =	simm.s32 @!p2 $0x0  }
0x16: {  	s3 =	sld [smem:$0x3FDB];
	s0 =	simm.s32 @p2 $0x1  }
0x17: {  	s4 =	simm.s32 $0x1BF5;
	[smem:$0x3FBB] =	sst s0  }
0x18: {  	s0 =	sld [smem:$0x3F9E];
	_ =	swait.ge [sflag:s4], $0x0  }
0x19: {  	s7 =	sld [smem:$0x3F9F]  }
0x1a: {  	s8 =	sadd.s32 $0xFFFFE003, lr  }
0x1b: {  	s9 =	sadd.s32 $0xFFFFFEF7, lr;
	s5 =	simm.s32 $0xFFFFFFFF;
	p2 =	slt.u32 s8, $0xFFFFF086  }
0x1c: {  	p1 =	slt.u32 s9, $0xF7A;
	s5 =	simm.s32 @!p2 $0x0  }
0x1d: {  	s5 =	simm.s32 @p1 $0x1;
	p0 =	seq.s32 s7, s2  }
0x1e: {  	s7 =	smul.u32 @!p0 $0xF7A, s2;
	p2 =	seq.s32 @!p0 s5, $0x0  }
0x1f: {  	s9 =	smul.u32 $0xF7A, s1;
	s8 =	simm.s32 @!p0 $0x1BF5;
	p2 =	por !p2, p0  }
0x20: {  	[sflag:s8] =	ssyncset.s32 @!p0 $0xFFFFF086;
	s6 =	sadd.s32 @!p0 s3, s7;
	s7 =	simm.s32 @!p0 $0x108  }
0x21: {  	s3 =	sadd.s32 s3, s9;
	s6 =	sadd.s32 @!p0 $0x88, s6;
	s7 =	simm.s32 @p2 $0x1082  }
0x22: {  	[simem:s7], [sflag:s8] =	dma.local @!p0 [hbm:s6], $0xF7A  }
0x23: {  	s9 =	sor.u32 $0xD0000000, s2;
	s6 =	simm.s32 $0x108;
	_ =	swait.ge @!p0 [sflag:s8], $0x0  }
0x24: {  	s3 =	sadd.s32 $0x88, s3;
	s6 =	simm.s32 @!p1 $0x1082;
	[sflag:s4] =	ssyncset.s32 $0xFFFFF086  }
0x25: {  	[simem:s6], [sflag:s4] =	dma.local [hbm:s3], $0xF7A  }
0x26: {  	[smem:$0x3F9F] =	sst s1;
	(tag) =	ssettag s2;
	_ =	strace s9  }
0x27: {  	s1 =	sld [smem:$0x3FAF]  }
0x28: {  	s2 =	sld [smem:$0x3FB0]  }
0x29: {  	s4 =	sld [smem:$0x3FB2]  }
0x2a: {  	p0 =	seq.s32 s5, $0x0;
	s5 =	sld [smem:$0x3FB3]  }
0x2b: {  	s6 =	sld [smem:$0x3FB4]  }
0x2c: {  	s7 =	sld [smem:$0x3FB5]  }
0x2d: {  	s3 =	simm.s32 $0x108;
	s8 =	sld [smem:$0x3FB6]  }
0x2e: {  	s3 =	simm.s32 @!p0 $0x1082;
	s9 =	sld [smem:$0x3FB7]  }
0x2f: {  	lr =	sadd.s32 s0, s3;
	s0 =	sld [smem:$0x3FAE]  }
0x30: {  	s3 =	sld [smem:$0x3FB1]  }
0x31: {  	[smem:$0x3FBA] =	sst s10  }
0x32: {  	s10 =	sld [smem:$0x3FB8];
	_ =	sdelay $0x3  }
0x33: {  	p0 =	seq.s32 s10, $0x1;
	s10 =	sld [smem:$0x3FBA];
	_ =	sdelay $0x3  }
0x34: {  	[smem:$0x3FBA] =	sst s10  }
0x35: {  	s10 =	sld [smem:$0x3FB9];
	_ =	sdelay $0x3  }
0x36: {  	p1 =	seq.s32 s10, $0x1;
	s10 =	sld [smem:$0x3FBA];
	_ =	sdelay $0x3  }
0x37: {  	[smem:$0x3FBA] =	sst s10  }
0x38: {  	s10 =	sld [smem:$0x3FBB]  }
0x39: {  	_ = 	snop;
	(pc) =	sbr.ind lr, $3  }
0x3a: {  	_ = 	snop  }
0x3b: {  	_ = 	snop  }
0x3c: {  	p2 =	seq.s32 s10, $0x1;
	s10 =	sld [smem:$0x3FBA]  }
0x3d: {  	_ =	shalt  }
0x3e: {  	_ =	shalt  }
0x3f: {  	_ =	shalt  }
0x40: {  	_ =	shalt  }
0x41: {  	_ =	shalt  }
0x42: {  	_ =	shalt  }
0x43: {  	_ =	shalt  }
0x44: {  	_ =	shalt  }
0x45: {  	_ =	shalt  }
0x46: {  	_ =	shalt  }
0x47: {  	_ =	shalt  }
0x48: {  	_ =	shalt  }
0x49: {  	_ =	shalt  }
0x4a: {  	_ =	shalt  }
0x4b: {  	_ =	shalt  }
0x4c: {  	_ =	shalt  }
0x4d: {  	_ =	shalt  }
0x4e: {  	_ =	shalt  }
0x4f: {  	_ =	shalt  }
0x50: {  	_ =	shalt  }
0x51: {  	_ =	shalt  }
0x52: {  	_ =	shalt  }
0x53: {  	_ =	shalt  }
0x54: {  	_ =	shalt  }
0x55: {  	_ =	shalt  }
0x56: {  	_ =	shalt  }
0x57: {  	_ =	shalt  }
0x58: {  	_ =	shalt  }
0x59: {  	_ =	shalt  }
0x5a: {  	_ =	shalt  }
0x5b: {  	_ =	shalt  }
0x5c: {  	_ =	shalt  }
0x5d: {  	_ =	shalt  }
0x5e: {  	_ =	shalt  }
0x5f: {  	_ =	shalt  }
0x60: {  	_ =	shalt  }
0x61: {  	_ =	shalt  }
0x62: {  	_ =	shalt  }
0x63: {  	_ =	shalt  }
0x64: {  	_ =	shalt  }
0x65: {  	_ =	shalt  }
0x66: {  	_ =	shalt  }
0x67: {  	_ =	shalt  }
0x68: {  	_ =	shalt  }
0x69: {  	_ =	shalt  }
0x6a: {  	_ =	shalt  }
0x6b: {  	_ =	shalt  }
0x6c: {  	_ =	shalt  }
0x6d: {  	_ =	shalt  }
0x6e: {  	_ =	shalt  }
0x6f: {  	_ =	shalt  }
0x70: {  	_ =	shalt  }
0x71: {  	_ =	shalt  }
0x72: {  	_ =	shalt  }
0x73: {  	_ =	shalt  }
0x74: {  	_ =	shalt  }
0x75: {  	_ =	shalt  }
0x76: {  	_ =	shalt  }
0x77: {  	_ =	shalt  }
0x78: {  	_ =	shalt  }
0x79: {  	_ =	shalt  }
0x7a: {  	_ =	shalt  }
0x7b: {  	_ =	shalt  }
0x7c: {  	_ =	shalt  }
0x7d: {  	_ =	shalt  }
0x7e: {  	_ =	shalt  }
0x7f: {  	_ =	shalt  }
0x80: {  	_ =	shalt  }
0x81: {  	_ =	shalt  }
0x82: {  	_ =	shalt  }
0x83: {  	_ =	shalt  }
0x84: {  	_ =	shalt  }
0x85: {  	_ =	shalt  }
0x86: {  	_ =	shalt  }
0x87: {  	_ =	shalt  }
.Lfunc_end0:
.L_simem_size_0:
called_computation_lowered:
.L_overlay_start_0:
0x88: {  	s2 =	sld [smem:$0x3FD9]  }
0x89: {  	s3 =	sld [smem:$0x3FFE];
	_ =	sdelay $0x1  }
0x8a: {  	s1 =	srdreg.scid  }
0x8b: {  	s0 =	sand.u32 $0x1, s1  }
0x8c: {  	s17 =	sshll.u32 s0, $0xA;
	s2 =	sadd.s32 s3, s2  }
0x8d: {  	s2 =	sadd.s32 s2, s17  }
0x8e: {  	[smem:$0x3FC6] =	sst s2  }
0x8f: {  	_ = 	snop  }
0x90: {  	(tm) =	ssettm $0x1  }
0x91: {  	s18 =	sld [smem:$0x3FFB];
	_ =	sdelay $0x3  }
0x92: {  	_ =	strace s18  }
0x93: {  	s2 =	sld [smem:$0x3FFC];
	_ =	sdelay $0x3  }
0x94: {  	_ =	strace s2  }
0x95: {  	s2 =	sld [smem:$0x3FFD];
	_ =	sdelay $0x3  }
0x96: {  	_ =	strace s2  }
0x97: {  	_ =	strace $0x8FFFFFFF  }
0x98: {  	s19 =	sld [smem:$0x3FDB];
	_ =	sdelay $0x1  }
0x99: {  	s20 =	simm.s32 $_scs_section_size  }
0x9a: {  	s4 =	simm.s32 $_size__tile_overlayer_lowered;
	s5 =	simm.s32 $_tile_overlayer_lowered  }
0x9b: {  	s6 =	simm.s32 $0x1BFF;
	s21 =	sshll.u32 s5, $0x1;
	s3 =	sadd.s32 s20, s19  }
0x9c: {  	s22 =	simm.s32 $0x0;
	s4 =	sshll.u32 s4, $0x1;
	s5 =	sadd.s32 s21, s3  }
0x9d: {  	[timem:s22], [sflag:s6] =	dma.local [hbm:s5], s4  }
0x9e: {  	_ =	swait.ge [sflag:s6], s4  }
0x9f: {  	s4 =	ssub.s32 $0x0, s4;
	[sflag:s6] =	ssyncset.done $0x0  }
0xa0: {  	[sflag:s6] =	ssyncadd.s32 s4;
	_ =	sdelay $0x1  }
0xa1: {  	s23 =	simm.s32 $0x1B8B  }
0xa2: {  	_ =	swait.ge [sflag:s23], $0x1  }
0xa3: {  	[sflag:s23] =	ssyncset.done $0x0  }
0xa4: {  	[sflag:s23] =	ssyncadd.s32 $0xFFFFFFFF  }
0xa5: {  	s4 =	sld [smem:$0x0]  }
0xa6: {  	s5 =	sand.u32 $0xFFFFFFFE, s1  }
0xa7: {  	p0 =	sne.s32 s1, s5  }
0xa8: {  	s5 =	sshll.u32 @p0 s5, $0xE  }
0xa9: {  	s5 =	sadd.s32 @p0 $0x11B8D, s5;
	s6 =	sshll.u32 @p0 s4, $0x11  }
0xaa: {  	s5 =	sor.u32 @p0 s6, s5  }
0xab: {  	[sflag:s5] =	ssyncadd.remote.s32 @p0 $0x1;
	_ =	sdelay $0x1  }
0xac: {  	s5 =	simm.s32 @p0 $0x1B8D  }
0xad: {  	_ =	swait.eq @p0 [sflag:s5], $0x1  }
0xae: {  	[sflag:s5] =	ssyncadd.s32 @p0 $0xFFFFFFFF  }
0xaf: {  	s6 =	sshll.u32 @!p0 s1, $0xE  }
0xb0: {  	s6 =	sor.u32 @!p0 $0x4000, s6;
	s5 =	simm.s32 @!p0 $0x1B8D  }
0xb1: {  	s4 =	sshll.u32 @!p0 s4, $0x11;
	s6 =	sadd.s32 @!p0 $0x11B8D, s6;
	_ =	swait.eq @!p0 [sflag:s5], $0x1  }
0xb2: {  	s4 =	sor.u32 @!p0 s4, s6;
	[sflag:s5] =	ssyncadd.s32 @!p0 $0xFFFFFFFF  }
0xb3: {  	s25 =	simm.s32 $0x1B8E;
	s24 =	sld [smem:$0x3FFE];
	[sflag:s4] =	ssyncadd.remote.s32 @!p0 $0x1  }
0xb4: {  	s26 =	simm.s32 $execute0_lowered;
	[smem:$0x3FD2] =	sst s25  }
0xb5: {  	s5 =	sshll.u32 s26, $0x1;
	_ =	strace $0x80000049;
	[dreg:$0x1] =	wrdreg $0xFFFFFFFF  }
0xb6: {  	s28 =	simm.s32 $_size_execute0_lowered;
	s3 =	sadd.s32 s3, s5;
	[dreg:$0x0] =	wrdreg $0x0  }
0xb7: {  	s5 =	sshll.u32 s28, $0x1;
	[dreg:$0x2] =	wrdreg s3  }
0xb8: {  	[dreg:$0x3] =	wrdreg s5  }
0xb9: {  	[dreg:$0x4] =	wrdreg $0xC0  }
0xba: {  	_ =	task [dreg:s22], $0x5FFFF  }
0xbb: {  	[dreg:$0x1] =	wrdreg $0xFFFFFFFF  }
0xbc: {  	[dreg:$0x0] =	wrdreg $0x60  }
0xbd: {  	[dreg:$0x2] =	wrdreg s24  }
0xbe: {  	[dreg:$0x3] =	wrdreg $0x9  }
0xbf: {  	_ =	task.clear_ibuf [dreg:s22], $0x4FFFF;
	_ =	strace $0x90000049  }
0xc0: {  	s29 =	simm.s32 $0x9;
	_ =	strace $0x8000004B  }
0xc1: {  	_ =	swait.ge [sflag:s29], $0x1  }
0xc2: {  	[sflag:s29] =	ssyncadd.s32 $0xFFFFFFFF  }
0xc3: {  	_ =	strace $0x9000004B  }
0xc4: {  	_ =	sfence  }
0xc5: {  	s30 =	sld [smem:$0x0];
	_ =	sdelay $0x2  }
0xc6: {  	s31 =	sshll.u32 s1, $0xD;
	s1 =	sshrl.u32 s1, $0x2  }
0xc7: {  	s4 =	sand.u32 $0x4000, s31;
	s1 =	sadd.s32 s1, s30  }
0xc8: {  	s0 =	sor.u32 s4, s0;
	s1 =	sshll.u32 s1, $0x11  }
0xc9: {  	s0 =	sor.u32 s1, s0  }
0xca: {  	s0 =	sadd.s32 $0x8F2B, s0  }
0xcb: {  	[sflag:s0] =	ssyncadd.remote.s32 $0x1  }
0xcc: {  	_ =	sfence.sel $0xFFFF  }
0xcd: {  	[dreg:$0x0] =	wrdreg $0xFFFFFFFF;
	(pc) =	sbr.abs _section_cstart, $3  }
0xce: {  	[dreg:$0x1] =	wrdreg $0xFFFFFFFF  }
0xcf: {  	_ =	task.clear_ibuf [dreg:s22], $0x2FFFF;
	_ =	strace $0x9FFFFFFF  }
0xd0: {  	(tm) =	ssettm $0x7FFFFFFF  }
0xd1: {  	_ =	shalt  }
tec
execute0_lowered:
.L_overlay_start_1:
0x0: {  	(tag) =	ssettag $0x1  }
0x1: {  	s1 =	srdreg.scid  }
0x2: {  	s0 =	stileid.u32;
	s3 =	rddreg [dreg:$0x0]  }
0x3: {  	s8 =	simm.s32 $0x80;
	s9 =	simm.s32 $0x400;
	s10 =	simm.s32 $0x0  }
0x4: {  	s4 =	sand.u32 $0x1, s1;
	s2 =	sshll.u32 s0, $0x1;
	s1 =	rddreg [dreg:$0x1]  }
0x5: {  	s6 =	sshrl.u32 s0, $0x2;
	s5 =	sor.u32 s4, s2;
	s2 =	simm.s32 $0x0  }
0x6: {  	s6 =	smul.u32 $0x10C00, s6;
	s4 =	ssub.s32 $0x2, s4;
	s7 =	sshll.u32 s5, $0x7  }
0x7: {  	[smem:$0x7FF] =	sst s2;
	s5 =	sshll.u32 s5, $0xD;
	s7 =	sand.u32 $0x380, s7  }
0x8: {  	s30 =	sshrl.u32 s4, $0x1;
	_ =	strace $0x8000004A;
	s6 =	sor.u32 s6, s7  }
0x9: {  	s5 =	sadd.s32 s5, s3;
	s31 =	ssub.s32 s4, s30;
	s6 =	sshrl.u32 s6, $0x3  }
0xa: {  	s7 =	simm.s32 $0x4000;
	s6 =	sadd.s32 s6, s3;
	s3 =	sadd.s32 $0x48600, s5  }
0xb: {  	v0 =	vimm.f32 $0.0e+00;
	s5 =	smax.u32 s31, $0x1;
	s4 =	sadd.s32 $0x88600, s6;
	s6 =	simm.s32 $0x1  }
.LBB2_1:
0xc: {  	s11 =	simm.s32 $0x4040  }
0xd: {  	[tilespmem:s11+$0xFFFFFFC0] =	vst v0  }
0xe: {  	[tilespmem:s11+$0x30] =	vst v0  }
0xf: {  	[tilespmem:s11+$0x20] =	vst v0  }
0x10: {  	[tilespmem:s11+$0x10] =	vst v0  }
0x11: {  	[tilespmem:s11+$0x0] =	vst v0  }
0x12: {  	[tilespmem:s11+$0xFFFFFFF0] =	vst v0  }
0x13: {  	s12 =	simm.s32 $0x0;
	[tilespmem:s11+$0xFFFFFFE0] =	vst v0  }
.LBB2_2:
0x14: {  	s12 =	sadd.s32 $0x8, s12;
	[tilespmem:s11+$0xFFFFFFD0] =	vst v0;
	s11 =	sadd.s32 $0x80, s11  }
0x15: {  	[tilespmem:s11+$0xFFFFFFC0] =	vst v0;
	p0 =	slt.u32 s12, $0x210  }
0x16: {  	[tilespmem:s11+$0x30] =	vst v0  }
.Ltmp0:
0x17: {  	[tilespmem:s11+$0x20] =	vst v0;
	(pc) =	sbr.rel @p0 .LBB2_2-.Ltmp0, $4  }
0x18: {  	[tilespmem:s11+$0x10] =	vst v0  }
0x19: {  	[tilespmem:s11+$0x0] =	vst v0  }
0x1a: {  	[tilespmem:s11+$0xFFFFFFF0] =	vst v0  }
0x1b: {  	[tilespmem:s11+$0xFFFFFFE0] =	vst v0  }
0x1c: {  	[tilespmem:s11+$0xFFFFFFD0] =	vst v0;
	s11 =	simm.s32 $0x0  }
.LBB2_4:
0x1d: {  	s12 =	sshll.u32 s11, $0xB  }
0x1e: {  	s12 =	sadd.s32 s12, s3  }
0x1f: {  	[tilespmem:s2], [sflag:$0x1] =	stream.linear.gather [hbm4b:s12+s2], $0x4000, $0x38;
	[tilespmem:$0x6180] =	vst v63  }
0x20: {  	_ =	swait.ge [sflag:s6], $0x4000  }
0x21: {  	[sflag:s6] =	ssyncset.done $0x0  }
0x22: {  	s13 =	simm.s32 $0x40;
	s12 =	simm.s32 $0xFFFFFFF8;
	[sflag:s6] =	ssyncadd.s32 $0xFFFFC000  }
.LBB2_5:
0x23: {  	v1 =	vld [tilespmem:s13+$0xFFFFFFC0];
	_ =	sdelay $0x4  }
0x24: {  	vm0 =	vne.s32 v1, $0x0  }
0x25: {  	v2 =	vshrl.u32 v1, $0x11;
	_ =	sdelay $0x4  }
0x26: {  	[tilespmem:v2+s7+$0x0] =	vst.idx.add.f32.msk vm0, v1  }
0x27: {  	v1 =	vld [tilespmem:s13+$0xFFFFFFD0];
	_ =	sdelay $0x4  }
0x28: {  	vm9 =	vne.s32 v1, $0x0  }
0x29: {  	v2 =	vshrl.u32 v1, $0x11;
	_ =	sdelay $0x4  }
0x2a: {  	[tilespmem:v2+s7+$0x0] =	vst.idx.add.f32.msk vm9, v1  }
0x2b: {  	v1 =	vld [tilespmem:s13+$0xFFFFFFE0];
	_ =	sdelay $0x4  }
0x2c: {  	vm10 =	vne.s32 v1, $0x0  }
0x2d: {  	v2 =	vshrl.u32 v1, $0x11;
	_ =	sdelay $0x4  }
0x2e: {  	[tilespmem:v2+s7+$0x0] =	vst.idx.add.f32.msk vm10, v1  }
0x2f: {  	v1 =	vld [tilespmem:s13+$0xFFFFFFF0];
	_ =	sdelay $0x4  }
0x30: {  	vm11 =	vne.s32 v1, $0x0  }
0x31: {  	v2 =	vshrl.u32 v1, $0x11;
	_ =	sdelay $0x4  }
0x32: {  	[tilespmem:v2+s7+$0x0] =	vst.idx.add.f32.msk vm11, v1  }
0x33: {  	v1 =	vld [tilespmem:s13+$0x0];
	_ =	sdelay $0x4  }
0x34: {  	vm12 =	vne.s32 v1, $0x0  }
0x35: {  	v2 =	vshrl.u32 v1, $0x11;
	_ =	sdelay $0x4  }
0x36: {  	[tilespmem:v2+s7+$0x0] =	vst.idx.add.f32.msk vm12, v1  }
0x37: {  	v1 =	vld [tilespmem:s13+$0x10];
	_ =	sdelay $0x4  }
0x38: {  	vm13 =	vne.s32 v1, $0x0  }
0x39: {  	v2 =	vshrl.u32 v1, $0x11;
	_ =	sdelay $0x4  }
0x3a: {  	[tilespmem:v2+s7+$0x0] =	vst.idx.add.f32.msk vm13, v1  }
0x3b: {  	v1 =	vld [tilespmem:s13+$0x20];
	_ =	sdelay $0x4  }
0x3c: {  	vm14 =	vne.s32 v1, $0x0  }
0x3d: {  	v2 =	vshrl.u32 v1, $0x11;
	_ =	sdelay $0x4  }
0x3e: {  	[tilespmem:v2+s7+$0x0] =	vst.idx.add.f32.msk vm14, v1  }
0x3f: {  	v1 =	vld [tilespmem:s13+$0x30];
	_ =	sdelay $0x4  }
0x40: {  	s12 =	sadd.s32 $0x8, s12;
	vm15 =	vne.s32 v1, $0x0  }
0x41: {  	p0 =	slt.u32 s12, $0x3F8;
	v2 =	vshrl.u32 v1, $0x11  }
.Ltmp1:
0x42: {  	_ = 	snop;
	(pc) =	sbr.rel @p0 .LBB2_5-.Ltmp1, $2  }
0x43: {  	_ =	sdelay $0x2  }
0x44: {  	s13 =	sadd.s32 $0x80, s13;
	[tilespmem:v2+s7+$0x0] =	vst.idx.add.f32.msk vm15, v1  }
0x45: {  	s11 =	sadd.s32 $0x1, s11  }
0x46: {  	p0 =	sne.s32 s11, $0x4  }
.Ltmp2:
0x47: {  	_ = 	snop;
	(pc) =	sbr.rel @p0 .LBB2_4-.Ltmp2, $1  }
0x48: {  	_ =	sdelay $0x3  }
0x49: {  	s10 =	sadd.s32 $0x1, s10  }
0x4a: {  	p0 =	sne.s32 s10, s5  }
.Ltmp3:
0x4b: {  	_ = 	snop;
	(pc) =	sbr.rel @p0 .LBB2_1-.Ltmp3, $4  }
0x4c: {  	[hbm4b:s4+s8] =	stream.strided.scatter [tilespmem:s7], [sflag:$0x1], $0x2180, s9, s8, $0x38;
	[tilespmem:$0x6180] =	vst v63  }
0x4d: {  	_ =	swait.ge [sflag:s6], $0x2180  }
0x4e: {  	[sflag:s6] =	ssyncset.done $0x0  }
0x4f: {  	[sflag:s6] =	ssyncadd.s32 $0xFFFFDE80  }
0x50: {  	_ =	sfence.sel $0x180000  }
0x51: {  	[bflag:$0x0] =	sbarrier.arrive $0xFFFF  }
0x52: {  	p0 =	sne.s32 s0, $0x0;
	_ =	strace $0x9000004A  }
0x53: {  	s0 =	sadd.s32 @!p0 $0x100000, s1;
	[bflag:$0x2] =	sbarrier.arrive $0xFFFF  }
0x54: {  	[sflag:s0] =	ssyncadd.tile.s32 @!p0 $0x1;
	_ =	shalt  }
.Lfunc_end2:
_tile_overlayer_lowered:
.L_overlay_start_2:
0x55: {  	(tag) =	ssettag $0x2  }
0x56: {  	s0 =	rddreg [dreg:$0x0];
	s2 =	stileid.u32  }
0x57: {  	s1 =	rddreg [dreg:$0x1];
	p0 =	sne.s32 s2, $0x0  }
0x58: {  	s3 =	rddreg [dreg:$0x2];
	[bflag:$0x3] =	sbarrier.arrive $0xFFFF;
	s2 =	simm.s32 @!p0 $0x1C01  }
0x59: {  	[timem:s3], [sflag:s2] =	dma.local @!p0 [hbm:s0], s1  }
0x5a: {  	s0 =	simm.s32 @!p0 $0x1  }
0x5b: {  	_ =	swait.ge @!p0 [sflag:s0], s1  }
0x5c: {  	s1 =	ssub.s32 @!p0 $0x0, s1;
	[sflag:s0] =	ssyncset.done @!p0 $0x0  }
0x5d: {  	[sflag:s0] =	ssyncadd.s32 @!p0 s1  }
0x5e: {  	[bflag:$0x3] =	sbarrier.arrive $0xFFFF  }
0x5f: {  	_ =	shalt  }

// kernel: kernel.9.cloned.1.call-start
scs
__scs_entry_jumppad:
0x0: {  	(pc) =	sbr.rel $0x88, $3  }
0x1: {  	(tag) =	ssettag $0x0;
	lr =	simm.s32 $0x1  }
0x2: {  	[smem:$0x3F9F] =	sst lr;
	_ =	strace $0xD0000000  }
0x3: {  	_ = 	snop  }
0x4: {  	_ = 	snop  }
0x5: {  	_ = 	snop  }
0x6: {  	_ = 	snop  }
0x7: {  	_ = 	snop  }
__scs_overlays_trampoline_lowered:
0x8: {  	[smem:$0x3FAE] =	sst s0  }
0x9: {  	[smem:$0x3FAF] =	sst s1  }
0xa: {  	[smem:$0x3FB0] =	sst s2  }
0xb: {  	[smem:$0x3FB1] =	sst s3  }
0xc: {  	[smem:$0x3FB2] =	sst s4  }
0xd: {  	[smem:$0x3FB3] =	sst s5  }
0xe: {  	[smem:$0x3FB4] =	sst s6  }
0xf: {  	[smem:$0x3FB5] =	sst s7  }
0x10: {  	[smem:$0x3FB6] =	sst s8  }
0x11: {  	[smem:$0x3FB7] =	sst s9;
	s0 =	simm.s32 @!p0 $0x0  }
0x12: {  	s1 =	sld [smem:$0x3F9D];
	s0 =	simm.s32 @p0 $0x1  }
0x13: {  	[smem:$0x3FB8] =	sst s0;
	s0 =	simm.s32 @!p1 $0x0  }
0x14: {  	s2 =	sld [smem:$0x3F9C];
	s0 =	simm.s32 @p1 $0x1  }
0x15: {  	[smem:$0x3FB9] =	sst s0;
	s0 =	simm.s32 @!p2 $0x0  }
0x16: {  	s3 =	sld [smem:$0x3FDB];
	s0 =	simm.s32 @p2 $0x1  }
0x17: {  	s4 =	simm.s32 $0x1BF5;
	[smem:$0x3FBB] =	sst s0  }
0x18: {  	s0 =	sld [smem:$0x3F9E];
	_ =	swait.ge [sflag:s4], $0x0  }
0x19: {  	s7 =	sld [smem:$0x3F9F]  }
0x1a: {  	s8 =	sadd.s32 $0xFFFFE003, lr  }
0x1b: {  	s9 =	sadd.s32 $0xFFFFFEF7, lr;
	s5 =	simm.s32 $0xFFFFFFFF;
	p2 =	slt.u32 s8, $0xFFFFF086  }
0x1c: {  	p1 =	slt.u32 s9, $0xF7A;
	s5 =	simm.s32 @!p2 $0x0  }
0x1d: {  	s5 =	simm.s32 @p1 $0x1;
	p0 =	seq.s32 s7, s2  }
0x1e: {  	s7 =	smul.u32 @!p0 $0xF7A, s2;
	p2 =	seq.s32 @!p0 s5, $0x0  }
0x1f: {  	s9 =	smul.u32 $0xF7A, s1;
	s8 =	simm.s32 @!p0 $0x1BF5;
	p2 =	por !p2, p0  }
0x20: {  	[sflag:s8] =	ssyncset.s32 @!p0 $0xFFFFF086;
	s6 =	sadd.s32 @!p0 s3, s7;
	s7 =	simm.s32 @!p0 $0x108  }
0x21: {  	s3 =	sadd.s32 s3, s9;
	s6 =	sadd.s32 @!p0 $0x88, s6;
	s7 =	simm.s32 @p2 $0x1082  }
0x22: {  	[simem:s7], [sflag:s8] =	dma.local @!p0 [hbm:s6], $0xF7A  }
0x23: {  	s9 =	sor.u32 $0xD0000000, s2;
	s6 =	simm.s32 $0x108;
	_ =	swait.ge @!p0 [sflag:s8], $0x0  }
0x24: {  	s3 =	sadd.s32 $0x88, s3;
	s6 =	simm.s32 @!p1 $0x1082;
	[sflag:s4] =	ssyncset.s32 $0xFFFFF086  }
0x25: {  	[simem:s6], [sflag:s4] =	dma.local [hbm:s3], $0xF7A  }
0x26: {  	[smem:$0x3F9F] =	sst s1;
	(tag) =	ssettag s2;
	_ =	strace s9  }
0x27: {  	s1 =	sld [smem:$0x3FAF]  }
0x28: {  	s2 =	sld [smem:$0x3FB0]  }
0x29: {  	s4 =	sld [smem:$0x3FB2]  }
0x2a: {  	p0 =	seq.s32 s5, $0x0;
	s5 =	sld [smem:$0x3FB3]  }
0x2b: {  	s6 =	sld [smem:$0x3FB4]  }
0x2c: {  	s7 =	sld [smem:$0x3FB5]  }
0x2d: {  	s3 =	simm.s32 $0x108;
	s8 =	sld [smem:$0x3FB6]  }
0x2e: {  	s3 =	simm.s32 @!p0 $0x1082;
	s9 =	sld [smem:$0x3FB7]  }
0x2f: {  	lr =	sadd.s32 s0, s3;
	s0 =	sld [smem:$0x3FAE]  }
0x30: {  	s3 =	sld [smem:$0x3FB1]  }
0x31: {  	[smem:$0x3FBA] =	sst s10  }
0x32: {  	s10 =	sld [smem:$0x3FB8];
	_ =	sdelay $0x3  }
0x33: {  	p0 =	seq.s32 s10, $0x1;
	s10 =	sld [smem:$0x3FBA];
	_ =	sdelay $0x3  }
0x34: {  	[smem:$0x3FBA] =	sst s10  }
0x35: {  	s10 =	sld [smem:$0x3FB9];
	_ =	sdelay $0x3  }
0x36: {  	p1 =	seq.s32 s10, $0x1;
	s10 =	sld [smem:$0x3FBA];
	_ =	sdelay $0x3  }
0x37: {  	[smem:$0x3FBA] =	sst s10  }
0x38: {  	s10 =	sld [smem:$0x3FBB]  }
0x39: {  	_ = 	snop;
	(pc) =	sbr.ind lr, $3  }
0x3a: {  	_ = 	snop  }
0x3b: {  	_ = 	snop  }
0x3c: {  	p2 =	seq.s32 s10, $0x1;
	s10 =	sld [smem:$0x3FBA]  }
0x3d: {  	_ =	shalt  }
0x3e: {  	_ =	shalt  }
0x3f: {  	_ =	shalt  }
0x40: {  	_ =	shalt  }
0x41: {  	_ =	shalt  }
0x42: {  	_ =	shalt  }
0x43: {  	_ =	shalt  }
0x44: {  	_ =	shalt  }
0x45: {  	_ =	shalt  }
0x46: {  	_ =	shalt  }
0x47: {  	_ =	shalt  }
0x48: {  	_ =	shalt  }
0x49: {  	_ =	shalt  }
0x4a: {  	_ =	shalt  }
0x4b: {  	_ =	shalt  }
0x4c: {  	_ =	shalt  }
0x4d: {  	_ =	shalt  }
0x4e: {  	_ =	shalt  }
0x4f: {  	_ =	shalt  }
0x50: {  	_ =	shalt  }
0x51: {  	_ =	shalt  }
0x52: {  	_ =	shalt  }
0x53: {  	_ =	shalt  }
0x54: {  	_ =	shalt  }
0x55: {  	_ =	shalt  }
0x56: {  	_ =	shalt  }
0x57: {  	_ =	shalt  }
0x58: {  	_ =	shalt  }
0x59: {  	_ =	shalt  }
0x5a: {  	_ =	shalt  }
0x5b: {  	_ =	shalt  }
0x5c: {  	_ =	shalt  }
0x5d: {  	_ =	shalt  }
0x5e: {  	_ =	shalt  }
0x5f: {  	_ =	shalt  }
0x60: {  	_ =	shalt  }
0x61: {  	_ =	shalt  }
0x62: {  	_ =	shalt  }
0x63: {  	_ =	shalt  }
0x64: {  	_ =	shalt  }
0x65: {  	_ =	shalt  }
0x66: {  	_ =	shalt  }
0x67: {  	_ =	shalt  }
0x68: {  	_ =	shalt  }
0x69: {  	_ =	shalt  }
0x6a: {  	_ =	shalt  }
0x6b: {  	_ =	shalt  }
0x6c: {  	_ =	shalt  }
0x6d: {  	_ =	shalt  }
0x6e: {  	_ =	shalt  }
0x6f: {  	_ =	shalt  }
0x70: {  	_ =	shalt  }
0x71: {  	_ =	shalt  }
0x72: {  	_ =	shalt  }
0x73: {  	_ =	shalt  }
0x74: {  	_ =	shalt  }
0x75: {  	_ =	shalt  }
0x76: {  	_ =	shalt  }
0x77: {  	_ =	shalt  }
0x78: {  	_ =	shalt  }
0x79: {  	_ =	shalt  }
0x7a: {  	_ =	shalt  }
0x7b: {  	_ =	shalt  }
0x7c: {  	_ =	shalt  }
0x7d: {  	_ =	shalt  }
0x7e: {  	_ =	shalt  }
0x7f: {  	_ =	shalt  }
0x80: {  	_ =	shalt  }
0x81: {  	_ =	shalt  }
0x82: {  	_ =	shalt  }
0x83: {  	_ =	shalt  }
0x84: {  	_ =	shalt  }
0x85: {  	_ =	shalt  }
0x86: {  	_ =	shalt  }
0x87: {  	_ =	shalt  }
.Lfunc_end0:
.L_simem_size_0:
called_computation.1_lowered:
.L_overlay_start_0:
0x88: {  	s2 =	sld [smem:$0x3FD9]  }
0x89: {  	s3 =	sld [smem:$0x3FFE];
	_ =	sdelay $0x1  }
0x8a: {  	s1 =	srdreg.scid  }
0x8b: {  	s0 =	sand.u32 $0x1, s1  }
0x8c: {  	s16 =	sshll.u32 s0, $0xA;
	s2 =	sadd.s32 s3, s2  }
0x8d: {  	s2 =	sadd.s32 s2, s16  }
0x8e: {  	[smem:$0x3FC6] =	sst s2  }
0x8f: {  	_ = 	snop  }
0x90: {  	(tm) =	ssettm $0x1  }
0x91: {  	s17 =	sld [smem:$0x3FFB];
	_ =	sdelay $0x3  }
0x92: {  	_ =	strace s17  }
0x93: {  	s2 =	sld [smem:$0x3FFC];
	_ =	sdelay $0x3  }
0x94: {  	_ =	strace s2  }
0x95: {  	s2 =	sld [smem:$0x3FFD];
	_ =	sdelay $0x3  }
0x96: {  	_ =	strace s2  }
0x97: {  	_ =	strace $0x8FFFFFFF  }
0x98: {  	s18 =	sld [smem:$0x3FDB];
	_ =	sdelay $0x1  }
0x99: {  	s19 =	simm.s32 $_scs_section_size  }
0x9a: {  	s4 =	simm.s32 $_size__tile_overlayer_lowered;
	s5 =	simm.s32 $_tile_overlayer_lowered  }
0x9b: {  	s22 =	simm.s32 $0x1BFF;
	s21 =	sshll.u32 s5, $0x1;
	s2 =	sadd.s32 s19, s18  }
0x9c: {  	s6 =	simm.s32 $0x0;
	s20 =	sshll.u32 s4, $0x1;
	s4 =	sadd.s32 s21, s2  }
0x9d: {  	[timem:s6], [sflag:s22] =	dma.local [hbm:s4], s20  }
0x9e: {  	_ =	swait.ge [sflag:s22], s20  }
0x9f: {  	s3 =	ssub.s32 $0x0, s20;
	[sflag:s22] =	ssyncset.done $0x0  }
0xa0: {  	[sflag:s22] =	ssyncadd.s32 s3;
	_ =	sdelay $0x1  }
0xa1: {  	s23 =	simm.s32 $0x1B8B  }
0xa2: {  	_ =	swait.ge [sflag:s23], $0x1  }
0xa3: {  	[sflag:s23] =	ssyncset.done $0x0  }
0xa4: {  	s25 =	simm.s32 $0x1B8E;
	s24 =	sld [smem:$0x3FFE];
	[sflag:s23] =	ssyncadd.s32 $0xFFFFFFFF  }
0xa5: {  	s26 =	simm.s32 $execute0_lowered;
	[smem:$0x3FD2] =	sst s25  }
0xa6: {  	s4 =	sshll.u32 s26, $0x1;
	_ =	strace $0x80000046;
	[dreg:$0x1] =	wrdreg $0xFFFFFFFF  }
0xa7: {  	s28 =	simm.s32 $_size_execute0_lowered;
	s2 =	sadd.s32 s2, s4;
	[dreg:$0x0] =	wrdreg $0x0  }
0xa8: {  	s4 =	sshll.u32 s28, $0x1;
	[dreg:$0x2] =	wrdreg s2  }
0xa9: {  	[dreg:$0x3] =	wrdreg s4  }
0xaa: {  	[dreg:$0x4] =	wrdreg $0xC0  }
0xab: {  	_ =	task [dreg:s6], $0x5FFFF  }
0xac: {  	[dreg:$0x1] =	wrdreg $0xFFFFFFFF  }
0xad: {  	[dreg:$0x0] =	wrdreg $0x60  }
0xae: {  	[dreg:$0x2] =	wrdreg s24  }
0xaf: {  	[dreg:$0x3] =	wrdreg $0xA  }
0xb0: {  	_ =	task.clear_ibuf [dreg:s6], $0x4FFFF;
	_ =	strace $0x90000046  }
0xb1: {  	s29 =	simm.s32 $0xA;
	_ =	strace $0x80000048  }
0xb2: {  	_ =	swait.ge [sflag:s29], $0x1  }
0xb3: {  	[sflag:s29] =	ssyncadd.s32 $0xFFFFFFFF  }
0xb4: {  	_ =	strace $0x90000048  }
0xb5: {  	_ =	sfence  }
0xb6: {  	s30 =	sld [smem:$0x0];
	_ =	sdelay $0x2  }
0xb7: {  	s31 =	sshll.u32 s1, $0xD;
	s1 =	sshrl.u32 s1, $0x2  }
0xb8: {  	s3 =	sand.u32 $0x4000, s31;
	s1 =	sadd.s32 s1, s30  }
0xb9: {  	s0 =	sor.u32 s3, s0;
	s1 =	sshll.u32 s1, $0x11  }
0xba: {  	s0 =	sor.u32 s1, s0  }
0xbb: {  	s0 =	sadd.s32 $0x8F2B, s0  }
0xbc: {  	[sflag:s0] =	ssyncadd.remote.s32 $0x1  }
0xbd: {  	_ =	sfence.sel $0xFFFF  }
0xbe: {  	[dreg:$0x0] =	wrdreg $0xFFFFFFFF;
	(pc) =	sbr.abs _section_cstart, $3  }
0xbf: {  	[dreg:$0x1] =	wrdreg $0xFFFFFFFF  }
0xc0: {  	_ =	task.clear_ibuf [dreg:s6], $0x2FFFF;
	_ =	strace $0x9FFFFFFF  }
0xc1: {  	(tm) =	ssettm $0x7FFFFFFF  }
tec
execute0_lowered:
.L_overlay_start_1:
0x0: {  	(tag) =	ssettag $0x1  }
0x1: {  	s1 =	srdreg.scid;
	s0 =	stileid.u32  }
0x2: {  	s5 =	rddreg [dreg:$0x0];
	s2 =	simm.s32 $0x0;
	s8 =	simm.s32 $0x80  }
0x3: {  	s9 =	simm.s32 $0x400;
	s3 =	sand.u32 $0x1, s1;
	s29 =	sshll.u32 s0, $0x1  }
0x4: {  	s10 =	simm.s32 $0x0;
	s30 =	sshrl.u32 s0, $0x2;
	s4 =	sor.u32 s3, s29  }
0x5: {  	s1 =	rddreg [dreg:$0x1];
	s6 =	smul.u32 $0x10C00, s30;
	s7 =	sshll.u32 s4, $0x7  }
0x6: {  	[smem:$0x7FF] =	sst s2;
	s3 =	ssub.s32 $0x2, s3;
	s7 =	sand.u32 $0x380, s7  }
0x7: {  	_ =	strace $0x80000047;
	s31 =	sshrl.u32 s3, $0x1;
	s6 =	sor.u32 s6, s7  }
0x8: {  	s4 =	sshll.u32 s4, $0xD;
	s7 =	ssub.s32 s3, s31;
	s6 =	sshrl.u32 s6, $0x3  }
0x9: {  	s3 =	sadd.s32 s5, s4;
	s6 =	sadd.s32 s6, s5;
	s5 =	smax.u32 s7, $0x1  }
0xa: {  	v0 =	vimm.f32 $0.0e+00;
	s7 =	simm.s32 $0x4000;
	s4 =	sadd.s32 $0x40000, s6;
	s6 =	simm.s32 $0x1  }
.LBB2_1:
0xb: {  	s11 =	simm.s32 $0x4040  }
0xc: {  	[tilespmem:s11+$0xFFFFFFC0] =	vst v0  }
0xd: {  	[tilespmem:s11+$0x30] =	vst v0  }
0xe: {  	[tilespmem:s11+$0x20] =	vst v0  }
0xf: {  	[tilespmem:s11+$0x10] =	vst v0  }
0x10: {  	[tilespmem:s11+$0x0] =	vst v0  }
0x11: {  	[tilespmem:s11+$0xFFFFFFF0] =	vst v0  }
0x12: {  	s12 =	simm.s32 $0x0;
	[tilespmem:s11+$0xFFFFFFE0] =	vst v0  }
.LBB2_2:
0x13: {  	s12 =	sadd.s32 $0x8, s12;
	[tilespmem:s11+$0xFFFFFFD0] =	vst v0;
	s11 =	sadd.s32 $0x80, s11  }
0x14: {  	[tilespmem:s11+$0xFFFFFFC0] =	vst v0;
	p0 =	slt.u32 s12, $0x210  }
0x15: {  	[tilespmem:s11+$0x30] =	vst v0  }
.Ltmp0:
0x16: {  	[tilespmem:s11+$0x20] =	vst v0;
	(pc) =	sbr.rel @p0 .LBB2_2-.Ltmp0, $4  }
0x17: {  	[tilespmem:s11+$0x10] =	vst v0  }
0x18: {  	[tilespmem:s11+$0x0] =	vst v0  }
0x19: {  	[tilespmem:s11+$0xFFFFFFF0] =	vst v0  }
0x1a: {  	[tilespmem:s11+$0xFFFFFFE0] =	vst v0  }
0x1b: {  	[tilespmem:s11+$0xFFFFFFD0] =	vst v0;
	s11 =	simm.s32 $0x0  }
.LBB2_4:
0x1c: {  	s12 =	sshll.u32 s11, $0xB  }
0x1d: {  	s12 =	sadd.s32 s12, s3  }
0x1e: {  	[tilespmem:s2], [sflag:$0x1] =	stream.linear.gather [hbm4b:s12+s2], $0x4000, $0x38;
	[tilespmem:$0x6180] =	vst v63  }
0x1f: {  	_ =	swait.ge [sflag:s6], $0x4000  }
0x20: {  	[sflag:s6] =	ssyncset.done $0x0  }
0x21: {  	s13 =	simm.s32 $0x40;
	s12 =	simm.s32 $0xFFFFFFF8;
	[sflag:s6] =	ssyncadd.s32 $0xFFFFC000  }
.LBB2_5:
0x22: {  	v1 =	vld [tilespmem:s13+$0xFFFFFFC0];
	_ =	sdelay $0x4  }
0x23: {  	vm0 =	vne.s32 v1, $0x0  }
0x24: {  	v2 =	vshrl.u32 v1, $0x11;
	_ =	sdelay $0x4  }
0x25: {  	[tilespmem:v2+s7+$0x0] =	vst.idx.add.f32.msk vm0, v1  }
0x26: {  	v1 =	vld [tilespmem:s13+$0xFFFFFFD0];
	_ =	sdelay $0x4  }
0x27: {  	vm9 =	vne.s32 v1, $0x0  }
0x28: {  	v2 =	vshrl.u32 v1, $0x11;
	_ =	sdelay $0x4  }
0x29: {  	[tilespmem:v2+s7+$0x0] =	vst.idx.add.f32.msk vm9, v1  }
0x2a: {  	v1 =	vld [tilespmem:s13+$0xFFFFFFE0];
	_ =	sdelay $0x4  }
0x2b: {  	vm10 =	vne.s32 v1, $0x0  }
0x2c: {  	v2 =	vshrl.u32 v1, $0x11;
	_ =	sdelay $0x4  }
0x2d: {  	[tilespmem:v2+s7+$0x0] =	vst.idx.add.f32.msk vm10, v1  }
0x2e: {  	v1 =	vld [tilespmem:s13+$0xFFFFFFF0];
	_ =	sdelay $0x4  }
0x2f: {  	vm11 =	vne.s32 v1, $0x0  }
0x30: {  	v2 =	vshrl.u32 v1, $0x11;
	_ =	sdelay $0x4  }
0x31: {  	[tilespmem:v2+s7+$0x0] =	vst.idx.add.f32.msk vm11, v1  }
0x32: {  	v1 =	vld [tilespmem:s13+$0x0];
	_ =	sdelay $0x4  }
0x33: {  	vm12 =	vne.s32 v1, $0x0  }
0x34: {  	v2 =	vshrl.u32 v1, $0x11;
	_ =	sdelay $0x4  }
0x35: {  	[tilespmem:v2+s7+$0x0] =	vst.idx.add.f32.msk vm12, v1  }
0x36: {  	v1 =	vld [tilespmem:s13+$0x10];
	_ =	sdelay $0x4  }
0x37: {  	vm13 =	vne.s32 v1, $0x0  }
0x38: {  	v2 =	vshrl.u32 v1, $0x11;
	_ =	sdelay $0x4  }
0x39: {  	[tilespmem:v2+s7+$0x0] =	vst.idx.add.f32.msk vm13, v1  }
0x3a: {  	v1 =	vld [tilespmem:s13+$0x20];
	_ =	sdelay $0x4  }
0x3b: {  	vm14 =	vne.s32 v1, $0x0  }
0x3c: {  	v2 =	vshrl.u32 v1, $0x11;
	_ =	sdelay $0x4  }
0x3d: {  	[tilespmem:v2+s7+$0x0] =	vst.idx.add.f32.msk vm14, v1  }
0x3e: {  	v1 =	vld [tilespmem:s13+$0x30];
	_ =	sdelay $0x4  }
0x3f: {  	s12 =	sadd.s32 $0x8, s12;
	vm15 =	vne.s32 v1, $0x0  }
0x40: {  	p0 =	slt.u32 s12, $0x3F8;
	v2 =	vshrl.u32 v1, $0x11  }
.Ltmp1:
0x41: {  	_ = 	snop;
	(pc) =	sbr.rel @p0 .LBB2_5-.Ltmp1, $2  }
0x42: {  	_ =	sdelay $0x2  }
0x43: {  	s13 =	sadd.s32 $0x80, s13;
	[tilespmem:v2+s7+$0x0] =	vst.idx.add.f32.msk vm15, v1  }
0x44: {  	s11 =	sadd.s32 $0x1, s11  }
0x45: {  	p0 =	sne.s32 s11, $0x4  }
.Ltmp2:
0x46: {  	_ = 	snop;
	(pc) =	sbr.rel @p0 .LBB2_4-.Ltmp2, $1  }
0x47: {  	_ =	sdelay $0x3  }
0x48: {  	s10 =	sadd.s32 $0x1, s10  }
0x49: {  	p0 =	sne.s32 s10, s5  }
.Ltmp3:
0x4a: {  	_ = 	snop;
	(pc) =	sbr.rel @p0 .LBB2_1-.Ltmp3, $4  }
0x4b: {  	[hbm4b:s4+s8] =	stream.strided.scatter [tilespmem:s7], [sflag:$0x1], $0x2180, s9, s8, $0x38;
	[tilespmem:$0x6180] =	vst v63  }
0x4c: {  	_ =	swait.ge [sflag:s6], $0x2180  }
0x4d: {  	[sflag:s6] =	ssyncset.done $0x0  }
0x4e: {  	[sflag:s6] =	ssyncadd.s32 $0xFFFFDE80  }
0x4f: {  	_ =	sfence.sel $0x180000  }
0x50: {  	[bflag:$0x0] =	sbarrier.arrive $0xFFFF  }
0x51: {  	p0 =	sne.s32 s0, $0x0;
	_ =	strace $0x90000047  }
0x52: {  	s0 =	sadd.s32 @!p0 $0x100000, s1;
	[bflag:$0x2] =	sbarrier.arrive $0xFFFF  }
0x53: {  	[sflag:s0] =	ssyncadd.tile.s32 @!p0 $0x1;
	_ =	shalt  }
.Lfunc_end2:
_tile_overlayer_lowered:
.L_overlay_start_2:
0x54: {  	(tag) =	ssettag $0x2  }
0x55: {  	s0 =	rddreg [dreg:$0x0];
	s2 =	stileid.u32  }
0x56: {  	s1 =	rddreg [dreg:$0x1];
	p0 =	sne.s32 s2, $0x0  }
0x57: {  	s3 =	rddreg [dreg:$0x2];
	[bflag:$0x3] =	sbarrier.arrive $0xFFFF;
	s2 =	simm.s32 @!p0 $0x1C01  }
0x58: {  	[timem:s3], [sflag:s2] =	dma.local @!p0 [hbm:s0], s1  }
0x59: {  	s0 =	simm.s32 @!p0 $0x1  }
0x5a: {  	_ =	swait.ge @!p0 [sflag:s0], s1  }
0x5b: {  	s1 =	ssub.s32 @!p0 $0x0, s1;
	[sflag:s0] =	ssyncset.done @!p0 $0x0  }
0x5c: {  	[sflag:s0] =	ssyncadd.s32 @!p0 s1  }
0x5d: {  	[bflag:$0x3] =	sbarrier.arrive $0xFFFF  }
0x5e: {  	_ =	shalt  }

</sc_bundles>
